<compile_context>
chip_gen: v7x
topology: tpu7x:2x2x1
jax: 0.10.2.dev20260603
libtpu: 0.0.44.dev20260713+nightly
codegen_flags: <defaults>
</compile_context>

<pallas_src>
import functools

import jax
import jax.numpy as jnp
from jax import lax
from jax.experimental import pallas as pl
from jax.experimental.pallas import tpu as pltpu
from jax.experimental.pallas import tpu_sc as plsc

CYCLE_LEN = 168
CHANNEL_SIZE = 321
BATCH = 4096
LENGTH = 96

_NUM_CORES = 2
_NUM_SUBCORES = 16
_NUM_WORKERS = _NUM_CORES * _NUM_SUBCORES
_PER_WORKER = BATCH // _NUM_WORKERS
_GROUPS = _PER_WORKER // 16


@functools.partial(
    pl.kernel,
    out_type=jax.ShapeDtypeStruct((BATCH, LENGTH, CHANNEL_SIZE), jnp.float32),
    mesh=plsc.VectorSubcoreMesh(core_axis_name="c", subcore_axis_name="s"),
    compiler_params=pltpu.CompilerParams(use_tc_tiling_on_sc=False),
    scratch_types=[
        pltpu.VMEM((2 * CYCLE_LEN, CHANNEL_SIZE), jnp.float32),
        pltpu.VMEM((_PER_WORKER,), jnp.int32),
        pltpu.SemaphoreType.DMA,
    ],
)
def _cycle_gather(starts_hbm, data_hbm, out_hbm, tab_v, idx_v, sem):
    wid = lax.axis_index("s") * _NUM_CORES + lax.axis_index("c")
    base = wid * _PER_WORKER

    pltpu.sync_copy(data_hbm, tab_v.at[pl.ds(0, CYCLE_LEN), :])
    pltpu.sync_copy(data_hbm, tab_v.at[pl.ds(CYCLE_LEN, CYCLE_LEN), :])
    pltpu.sync_copy(starts_hbm.at[pl.ds(base, _PER_WORKER)], idx_v)

    def group(g, carry):
        vec = idx_v[pl.ds(g * 16, 16)]
        for l in range(16):
            start = vec[l]
            i = base + g * 16 + l
            pltpu.async_copy(tab_v.at[pl.ds(start, LENGTH), :], out_hbm.at[i], sem)
        return carry

    lax.fori_loop(0, _GROUPS, group, 0)

    pltpu.make_async_copy(
        out_hbm.at[pl.ds(base, _PER_WORKER)],
        out_hbm.at[pl.ds(base, _PER_WORKER)],
        sem,
    ).wait()


def kernel(index, length, data):
    shift = jnp.asarray(length, jnp.int32) - LENGTH
    starts = (index.astype(jnp.int32) + shift) % CYCLE_LEN
    return _cycle_gather(starts, data)

# --- scband reference (transcript-rebuilt; emitter-appended) ---
"""Pipeline reference for scband-recurrent-cycle-10574209483019 (READ-ONLY COPY).

The authoritative reference and input builder live on the scoring server;
editing this copy changes nothing except your own understanding.
"""

import jax, jax.numpy as jnp
import numpy as np

CYCLE_LEN = 168
CHANNEL_SIZE = 321
BATCH = 4096
LENGTH = 96

def setup_inputs(seed: int = 0) -> dict:
    key = jax.random.key(seed)
    k1, k2 = jax.random.split(key)
    index = jax.random.randint(k1, (BATCH,), 0, CYCLE_LEN, dtype=jnp.int64) if jax.config.jax_enable_x64 else jax.random.randint(k1, (BATCH,), 0, CYCLE_LEN, dtype=jnp.int32)
    data = jax.random.normal(k2, (CYCLE_LEN, CHANNEL_SIZE), dtype=jnp.float32)
    return {"index": index, "length": LENGTH, "data": data}

def reference(index, length, data):
    cycle_len = data.shape[0]
    offsets = jnp.arange(LENGTH, dtype=index.dtype) + (jnp.asarray(length, dtype=index.dtype) - LENGTH)
    gather_index = (index.reshape(-1, 1) + offsets.reshape(1, -1)) % cycle_len
    return data[gather_index]

if __name__ == "__main__":
    import jax
    _d = setup_inputs()
    print(jax.jit(kernel)(*tuple(_d.values())))

</pallas_src>

<mosaic_0001>
#map = affine_map<(d0, d1) -> (0)>
#map1 = affine_map<(d0, d1) -> (0, 0)>
#map2 = affine_map<(d0, d1) -> (0, 0, 0)>
module attributes {stable_mosaic.version = 14 : i64} {
  func.func @_cycle_gather(%arg0: i32, %arg1: i32, %arg2: memref<4096xi32, #tpu.memory_space<hbm>>, %arg3: memref<168x321xf32, #tpu.memory_space<hbm>>, %arg4: memref<4096x96x321xf32, #tpu.memory_space<hbm>>, %arg5: memref<336x321xf32, #tpu.memory_space<vmem>>, %arg6: memref<128xi32, #tpu.memory_space<vmem>>, %arg7: memref<!tpu.dma_semaphore, #tpu.memory_space<semaphore_mem>>) attributes {dimension_semantics = [#tpu.dimension_semantics<core_parallel>, #tpu.dimension_semantics<subcore_parallel>], iteration_bounds = array<i64: 2, 16>, scalar_prefetch = 0 : i64, scratch_operands = 3 : i64, tpu.core_type = #tpu.core_type<sc_vector_subcore>, window_params = [{transform_indices = #map}, {transform_indices = #map1}, {transform_indices = #map2}]} {
    %mul3A = arith.constant 2 : i32
    %mul3A_0 = arith.muli %arg1, %mul3A : i32
    %add3A = arith.addi %mul3A_0, %arg0 : i32
    %mul3A_1 = arith.constant 128 : i32
    %mul3A_2 = arith.muli %add3A, %mul3A_1 : i32
    "tpu.region"() ({
      %run_scoped3A = tpu.sem_alloc : memref<!tpu.dma_semaphore, #tpu.memory_space<semaphore_mem>>
      %dma_start3A = arith.constant 0 : i32
      %dma_start3A_13 = arith.constant 0 : i32
      %dma_start3A_14 = tpu.memref_slice %arg5[%dma_start3A, %dma_start3A_13] : memref<336x321xf32, #tpu.memory_space<vmem>> -> memref<168x321xf32, #tpu.memory_space<vmem>>
      %dma_start3A_15 = arith.constant 0 : i32
      %dma_start3A_16 = arith.constant 0 : i32
      %dma_start3A_17 = tpu.memref_slice %arg5[%dma_start3A_15, %dma_start3A_16] : memref<336x321xf32, #tpu.memory_space<vmem>> -> memref<168x321xf32, #tpu.memory_space<vmem>>
      tpu.enqueue_dma source(%arg3 : memref<168x321xf32, #tpu.memory_space<hbm>>) target(%dma_start3A_17 : memref<168x321xf32, #tpu.memory_space<vmem>>) target_semaphore(%run_scoped3A : memref<!tpu.dma_semaphore, #tpu.memory_space<semaphore_mem>>)
      %dma_wait3A_18 = arith.constant 0 : i32
      %dma_wait3A_19 = arith.constant 0 : i32
      %dma_wait3A_20 = tpu.memref_slice %arg5[%dma_wait3A_18, %dma_wait3A_19] : memref<336x321xf32, #tpu.memory_space<vmem>> -> memref<168x321xf32, #tpu.memory_space<vmem>>
      %dma_wait3A_21 = arith.constant 0 : i32
      %dma_wait3A_22 = arith.constant 0 : i32
      %dma_wait3A_23 = tpu.memref_slice %arg5[%dma_wait3A_21, %dma_wait3A_22] : memref<336x321xf32, #tpu.memory_space<vmem>> -> memref<168x321xf32, #tpu.memory_space<vmem>>
      tpu.wait_dma2 semaphore(%run_scoped3A : memref<!tpu.dma_semaphore, #tpu.memory_space<semaphore_mem>>) src(%arg3 : memref<168x321xf32, #tpu.memory_space<hbm>>) dst(%dma_wait3A_23 : memref<168x321xf32, #tpu.memory_space<vmem>>)
      tpu.yield
    }) : () -> ()
    "tpu.region"() ({
      %run_scoped3A = tpu.sem_alloc : memref<!tpu.dma_semaphore, #tpu.memory_space<semaphore_mem>>
      %dma_start3A = arith.constant 168 : i32
      %dma_start3A_13 = arith.constant 0 : i32
      %dma_start3A_14 = tpu.memref_slice %arg5[%dma_start3A, %dma_start3A_13] : memref<336x321xf32, #tpu.memory_space<vmem>> -> memref<168x321xf32, #tpu.memory_space<vmem>>
      %dma_start3A_15 = arith.constant 168 : i32
      %dma_start3A_16 = arith.constant 0 : i32
      %dma_start3A_17 = tpu.memref_slice %arg5[%dma_start3A_15, %dma_start3A_16] : memref<336x321xf32, #tpu.memory_space<vmem>> -> memref<168x321xf32, #tpu.memory_space<vmem>>
      tpu.enqueue_dma source(%arg3 : memref<168x321xf32, #tpu.memory_space<hbm>>) target(%dma_start3A_17 : memref<168x321xf32, #tpu.memory_space<vmem>>) target_semaphore(%run_scoped3A : memref<!tpu.dma_semaphore, #tpu.memory_space<semaphore_mem>>)
      %dma_wait3A_18 = arith.constant 168 : i32
      %dma_wait3A_19 = arith.constant 0 : i32
      %dma_wait3A_20 = tpu.memref_slice %arg5[%dma_wait3A_18, %dma_wait3A_19] : memref<336x321xf32, #tpu.memory_space<vmem>> -> memref<168x321xf32, #tpu.memory_space<vmem>>
      %dma_wait3A_21 = arith.constant 168 : i32
      %dma_wait3A_22 = arith.constant 0 : i32
      %dma_wait3A_23 = tpu.memref_slice %arg5[%dma_wait3A_21, %dma_wait3A_22] : memref<336x321xf32, #tpu.memory_space<vmem>> -> memref<168x321xf32, #tpu.memory_space<vmem>>
      tpu.wait_dma2 semaphore(%run_scoped3A : memref<!tpu.dma_semaphore, #tpu.memory_space<semaphore_mem>>) src(%arg3 : memref<168x321xf32, #tpu.memory_space<hbm>>) dst(%dma_wait3A_23 : memref<168x321xf32, #tpu.memory_space<vmem>>)
      tpu.yield
    }) : () -> ()
    "tpu.region"() ({
      %run_scoped3A = tpu.sem_alloc : memref<!tpu.dma_semaphore, #tpu.memory_space<semaphore_mem>>
      %dma_start3A = tpu.memref_slice %arg2[%mul3A_2] : memref<4096xi32, #tpu.memory_space<hbm>> -> memref<128xi32, #tpu.memory_space<hbm>>
      %dma_start3A_13 = tpu.memref_slice %arg2[%mul3A_2] : memref<4096xi32, #tpu.memory_space<hbm>> -> memref<128xi32, #tpu.memory_space<hbm>>
      tpu.enqueue_dma source(%dma_start3A_13 : memref<128xi32, #tpu.memory_space<hbm>>) target(%arg6 : memref<128xi32, #tpu.memory_space<vmem>>) target_semaphore(%run_scoped3A : memref<!tpu.dma_semaphore, #tpu.memory_space<semaphore_mem>>)
      %dma_wait3A_14 = tpu.memref_slice %arg2[%mul3A_2] : memref<4096xi32, #tpu.memory_space<hbm>> -> memref<128xi32, #tpu.memory_space<hbm>>
      %dma_wait3A_15 = tpu.memref_slice %arg2[%mul3A_2] : memref<4096xi32, #tpu.memory_space<hbm>> -> memref<128xi32, #tpu.memory_space<hbm>>
      tpu.wait_dma2 semaphore(%run_scoped3A : memref<!tpu.dma_semaphore, #tpu.memory_space<semaphore_mem>>) src(%dma_wait3A_15 : memref<128xi32, #tpu.memory_space<hbm>>) dst(%arg6 : memref<128xi32, #tpu.memory_space<vmem>>)
      tpu.yield
    }) : () -> ()
    %scan3A = arith.constant 0 : i32
    %scan3A_3 = arith.constant 0 : i32
    %scan3A_4 = arith.constant 8 : i32
    %scan3A_5 = arith.addi %scan3A_3, %scan3A_4 : i32
    %scan3A_6 = arith.constant 1 : i32
    scf.for %scan3A_13 = %scan3A_3 to %scan3A_5 step %scan3A_6  : i32 {
      %mul3A_14 = arith.constant 16 : i32
      %mul3A_15 = arith.muli %scan3A_13, %mul3A_14 : i32
      %get3A = arith.index_cast %mul3A_15 : i32 to index
      %get3A_16 = tpu.vector_load %arg6[%get3A] {strides = array<i32>} : memref<128xi32, #tpu.memory_space<vmem>>, vector<16xi32>,
      %get3A_17 = vector.shape_cast %get3A_16 : vector<16xi32> to vector<16xi32>
      %slice3A = vector.extract_strided_slice %get3A_17 {offsets = [0], sizes = [1], strides = [1]} : vector<16xi32> to vector<1xi32>
      %squeeze3A = vector.extract %slice3A[0] : i32 from vector<1xi32>
      %mul3A_18 = arith.constant 16 : i32
      %mul3A_19 = arith.muli %scan3A_13, %mul3A_18 : i32
      %add3A_20 = arith.addi %mul3A_2, %mul3A_19 : i32
      %add3A_21 = arith.constant 0 : i32
      %add3A_22 = arith.addi %add3A_20, %add3A_21 : i32
      %dma_start3A = arith.constant 0 : i32
      %dma_start3A_23 = tpu.memref_slice %arg5[%squeeze3A, %dma_start3A] : memref<336x321xf32, #tpu.memory_space<vmem>> -> memref<96x321xf32, #tpu.memory_space<vmem>>
      %dma_start3A_24 = arith.constant 0 : i32
      %dma_start3A_25 = arith.constant 0 : i32
      %dma_start3A_26 = tpu.memref_slice %arg4[%add3A_22, %dma_start3A_24, %dma_start3A_25] : memref<4096x96x321xf32, #tpu.memory_space<hbm>> -> memref<1x96x321xf32, #tpu.memory_space<hbm>>
      %dma_start3A_27 = tpu.memref_squeeze %dma_start3A_26 : memref<1x96x321xf32, #tpu.memory_space<hbm>> -> memref<96x321xf32, #tpu.memory_space<hbm>>
      %dma_start3A_28 = arith.constant 0 : i32
      %dma_start3A_29 = arith.constant 0 : i32
      %dma_start3A_30 = tpu.memref_slice %arg4[%add3A_22, %dma_start3A_28, %dma_start3A_29] : memref<4096x96x321xf32, #tpu.memory_space<hbm>> -> memref<1x96x321xf32, #tpu.memory_space<hbm>>
      %dma_start3A_31 = tpu.memref_squeeze %dma_start3A_30 : memref<1x96x321xf32, #tpu.memory_space<hbm>> -> memref<96x321xf32, #tpu.memory_space<hbm>>
      %dma_start3A_32 = arith.constant 0 : i32
      %dma_start3A_33 = tpu.memref_slice %arg5[%squeeze3A, %dma_start3A_32] : memref<336x321xf32, #tpu.memory_space<vmem>> -> memref<96x321xf32, #tpu.memory_space<vmem>>
      tpu.enqueue_dma source(%dma_start3A_33 : memref<96x321xf32, #tpu.memory_space<vmem>>) target(%dma_start3A_31 : memref<96x321xf32, #tpu.memory_space<hbm>>) target_semaphore(%arg7 : memref<!tpu.dma_semaphore, #tpu.memory_space<semaphore_mem>>)
      %slice3A_34 = vector.extract_strided_slice %get3A_17 {offsets = [1], sizes = [1], strides = [1]} : vector<16xi32> to vector<1xi32>
      %squeeze3A_35 = vector.extract %slice3A_34[0] : i32 from vector<1xi32>
      %mul3A_36 = arith.constant 16 : i32
      %mul3A_37 = arith.muli %scan3A_13, %mul3A_36 : i32
      %add3A_38 = arith.addi %mul3A_2, %mul3A_37 : i32
      %add3A_39 = arith.constant 1 : i32
      %add3A_40 = arith.addi %add3A_38, %add3A_39 : i32
      %dma_start3A_41 = arith.constant 0 : i32
      %dma_start3A_42 = tpu.memref_slice %arg5[%squeeze3A_35, %dma_start3A_41] : memref<336x321xf32, #tpu.memory_space<vmem>> -> memref<96x321xf32, #tpu.memory_space<vmem>>
      %dma_start3A_43 = arith.constant 0 : i32
      %dma_start3A_44 = arith.constant 0 : i32
      %dma_start3A_45 = tpu.memref_slice %arg4[%add3A_40, %dma_start3A_43, %dma_start3A_44] : memref<4096x96x321xf32, #tpu.memory_space<hbm>> -> memref<1x96x321xf32, #tpu.memory_space<hbm>>
      %dma_start3A_46 = tpu.memref_squeeze %dma_start3A_45 : memref<1x96x321xf32, #tpu.memory_space<hbm>> -> memref<96x321xf32, #tpu.memory_space<hbm>>
      %dma_start3A_47 = arith.constant 0 : i32
      %dma_start3A_48 = arith.constant 0 : i32
      %dma_start3A_49 = tpu.memref_slice %arg4[%add3A_40, %dma_start3A_47, %dma_start3A_48] : memref<4096x96x321xf32, #tpu.memory_space<hbm>> -> memref<1x96x321xf32, #tpu.memory_space<hbm>>
      %dma_start3A_50 = tpu.memref_squeeze %dma_start3A_49 : memref<1x96x321xf32, #tpu.memory_space<hbm>> -> memref<96x321xf32, #tpu.memory_space<hbm>>
      %dma_start3A_51 = arith.constant 0 : i32
      %dma_start3A_52 = tpu.memref_slice %arg5[%squeeze3A_35, %dma_start3A_51] : memref<336x321xf32, #tpu.memory_space<vmem>> -> memref<96x321xf32, #tpu.memory_space<vmem>>
      tpu.enqueue_dma source(%dma_start3A_52 : memref<96x321xf32, #tpu.memory_space<vmem>>) target(%dma_start3A_50 : memref<96x321xf32, #tpu.memory_space<hbm>>) target_semaphore(%arg7 : memref<!tpu.dma_semaphore, #tpu.memory_space<semaphore_mem>>)
      %slice3A_53 = vector.extract_strided_slice %get3A_17 {offsets = [2], sizes = [1], strides = [1]} : vector<16xi32> to vector<1xi32>
      %squeeze3A_54 = vector.extract %slice3A_53[0] : i32 from vector<1xi32>
      %mul3A_55 = arith.constant 16 : i32
      %mul3A_56 = arith.muli %scan3A_13, %mul3A_55 : i32
      %add3A_57 = arith.addi %mul3A_2, %mul3A_56 : i32
      %add3A_58 = arith.constant 2 : i32
      %add3A_59 = arith.addi %add3A_57, %add3A_58 : i32
      %dma_start3A_60 = arith.constant 0 : i32
      %dma_start3A_61 = tpu.memref_slice %arg5[%squeeze3A_54, %dma_start3A_60] : memref<336x321xf32, #tpu.memory_space<vmem>> -> memref<96x321xf32, #tpu.memory_space<vmem>>
      %dma_start3A_62 = arith.constant 0 : i32
      %dma_start3A_63 = arith.constant 0 : i32
      %dma_start3A_64 = tpu.memref_slice %arg4[%add3A_59, %dma_start3A_62, %dma_start3A_63] : memref<4096x96x321xf32, #tpu.memory_space<hbm>> -> memref<1x96x321xf32, #tpu.memory_space<hbm>>
      %dma_start3A_65 = tpu.memref_squeeze %dma_start3A_64 : memref<1x96x321xf32, #tpu.memory_space<hbm>> -> memref<96x321xf32, #tpu.memory_space<hbm>>
      %dma_start3A_66 = arith.constant 0 : i32
      %dma_start3A_67 = arith.constant 0 : i32
      %dma_start3A_68 = tpu.memref_slice %arg4[%add3A_59, %dma_start3A_66, %dma_start3A_67] : memref<4096x96x321xf32, #tpu.memory_space<hbm>> -> memref<1x96x321xf32, #tpu.memory_space<hbm>>
      %dma_start3A_69 = tpu.memref_squeeze %dma_start3A_68 : memref<1x96x321xf32, #tpu.memory_space<hbm>> -> memref<96x321xf32, #tpu.memory_space<hbm>>
      %dma_start3A_70 = arith.constant 0 : i32
      %dma_start3A_71 = tpu.memref_slice %arg5[%squeeze3A_54, %dma_start3A_70] : memref<336x321xf32, #tpu.memory_space<vmem>> -> memref<96x321xf32, #tpu.memory_space<vmem>>
      tpu.enqueue_dma source(%dma_start3A_71 : memref<96x321xf32, #tpu.memory_space<vmem>>) target(%dma_start3A_69 : memref<96x321xf32, #tpu.memory_space<hbm>>) target_semaphore(%arg7 : memref<!tpu.dma_semaphore, #tpu.memory_space<semaphore_mem>>)
      %slice3A_72 = vector.extract_strided_slice %get3A_17 {offsets = [3], sizes = [1], strides = [1]} : vector<16xi32> to vector<1xi32>
      %squeeze3A_73 = vector.extract %slice3A_72[0] : i32 from vector<1xi32>
      %mul3A_74 = arith.constant 16 : i32
      %mul3A_75 = arith.muli %scan3A_13, %mul3A_74 : i32
      %add3A_76 = arith.addi %mul3A_2, %mul3A_75 : i32
      %add3A_77 = arith.constant 3 : i32
      %add3A_78 = arith.addi %add3A_76, %add3A_77 : i32
      %dma_start3A_79 = arith.constant 0 : i32
      %dma_start3A_80 = tpu.memref_slice %arg5[%squeeze3A_73, %dma_start3A_79] : memref<336x321xf32, #tpu.memory_space<vmem>> -> memref<96x321xf32, #tpu.memory_space<vmem>>
      %dma_start3A_81 = arith.constant 0 : i32
      %dma_start3A_82 = arith.constant 0 : i32
      %dma_start3A_83 = tpu.memref_slice %arg4[%add3A_78, %dma_start3A_81, %dma_start3A_82] : memref<4096x96x321xf32, #tpu.memory_space<hbm>> -> memref<1x96x321xf32, #tpu.memory_space<hbm>>
      %dma_start3A_84 = tpu.memref_squeeze %dma_start3A_83 : memref<1x96x321xf32, #tpu.memory_space<hbm>> -> memref<96x321xf32, #tpu.memory_space<hbm>>
      %dma_start3A_85 = arith.constant 0 : i32
      %dma_start3A_86 = arith.constant 0 : i32
      %dma_start3A_87 = tpu.memref_slice %arg4[%add3A_78, %dma_start3A_85, %dma_start3A_86] : memref<4096x96x321xf32, #tpu.memory_space<hbm>> -> memref<1x96x321xf32, #tpu.memory_space<hbm>>
      %dma_start3A_88 = tpu.memref_squeeze %dma_start3A_87 : memref<1x96x321xf32, #tpu.memory_space<hbm>> -> memref<96x321xf32, #tpu.memory_space<hbm>>
      %dma_start3A_89 = arith.constant 0 : i32
      %dma_start3A_90 = tpu.memref_slice %arg5[%squeeze3A_73, %dma_start3A_89] : memref<336x321xf32, #tpu.memory_space<vmem>> -> memref<96x321xf32, #tpu.memory_space<vmem>>
      tpu.enqueue_dma source(%dma_start3A_90 : memref<96x321xf32, #tpu.memory_space<vmem>>) target(%dma_start3A_88 : memref<96x321xf32, #tpu.memory_space<hbm>>) target_semaphore(%arg7 : memref<!tpu.dma_semaphore, #tpu.memory_space<semaphore_mem>>)
      %slice3A_91 = vector.extract_strided_slice %get3A_17 {offsets = [4], sizes = [1], strides = [1]} : vector<16xi32> to vector<1xi32>
      %squeeze3A_92 = vector.extract %slice3A_91[0] : i32 from vector<1xi32>
      %mul3A_93 = arith.constant 16 : i32
      %mul3A_94 = arith.muli %scan3A_13, %mul3A_93 : i32
      %add3A_95 = arith.addi %mul3A_2, %mul3A_94 : i32
      %add3A_96 = arith.constant 4 : i32
      %add3A_97 = arith.addi %add3A_95, %add3A_96 : i32
      %dma_start3A_98 = arith.constant 0 : i32
      %dma_start3A_99 = tpu.memref_slice %arg5[%squeeze3A_92, %dma_start3A_98] : memref<336x321xf32, #tpu.memory_space<vmem>> -> memref<96x321xf32, #tpu.memory_space<vmem>>
      %dma_start3A_100 = arith.constant 0 : i32
      %dma_start3A_101 = arith.constant 0 : i32
      %dma_start3A_102 = tpu.memref_slice %arg4[%add3A_97, %dma_start3A_100, %dma_start3A_101] : memref<4096x96x321xf32, #tpu.memory_space<hbm>> -> memref<1x96x321xf32, #tpu.memory_space<hbm>>
      %dma_start3A_103 = tpu.memref_squeeze %dma_start3A_102 : memref<1x96x321xf32, #tpu.memory_space<hbm>> -> memref<96x321xf32, #tpu.memory_space<hbm>>
      %dma_start3A_104 = arith.constant 0 : i32
      %dma_start3A_105 = arith.constant 0 : i32
      %dma_start3A_106 = tpu.memref_slice %arg4[%add3A_97, %dma_start3A_104, %dma_start3A_105] : memref<4096x96x321xf32, #tpu.memory_space<hbm>> -> memref<1x96x321xf32, #tpu.memory_space<hbm>>
      %dma_start3A_107 = tpu.memref_squeeze %dma_start3A_106 : memref<1x96x321xf32, #tpu.memory_space<hbm>> -> memref<96x321xf32, #tpu.memory_space<hbm>>
      %dma_start3A_108 = arith.constant 0 : i32
      %dma_start3A_109 = tpu.memref_slice %arg5[%squeeze3A_92, %dma_start3A_108] : memref<336x321xf32, #tpu.memory_space<vmem>> -> memref<96x321xf32, #tpu.memory_space<vmem>>
      tpu.enqueue_dma source(%dma_start3A_109 : memref<96x321xf32, #tpu.memory_space<vmem>>) target(%dma_start3A_107 : memref<96x321xf32, #tpu.memory_space<hbm>>) target_semaphore(%arg7 : memref<!tpu.dma_semaphore, #tpu.memory_space<semaphore_mem>>)
      %slice3A_110 = vector.extract_strided_slice %get3A_17 {offsets = [5], sizes = [1], strides = [1]} : vector<16xi32> to vector<1xi32>
      %squeeze3A_111 = vector.extract %slice3A_110[0] : i32 from vector<1xi32>
      %mul3A_112 = arith.constant 16 : i32
      %mul3A_113 = arith.muli %scan3A_13, %mul3A_112 : i32
      %add3A_114 = arith.addi %mul3A_2, %mul3A_113 : i32
      %add3A_115 = arith.constant 5 : i32
      %add3A_116 = arith.addi %add3A_114, %add3A_115 : i32
      %dma_start3A_117 = arith.constant 0 : i32
      %dma_start3A_118 = tpu.memref_slice %arg5[%squeeze3A_111, %dma_start3A_117] : memref<336x321xf32, #tpu.memory_space<vmem>> -> memref<96x321xf32, #tpu.memory_space<vmem>>
      %dma_start3A_119 = arith.constant 0 : i32
      %dma_start3A_120 = arith.constant 0 : i32
      %dma_start3A_121 = tpu.memref_slice %arg4[%add3A_116, %dma_start3A_119, %dma_start3A_120] : memref<4096x96x321xf32, #tpu.memory_space<hbm>> -> memref<1x96x321xf32, #tpu.memory_space<hbm>>
      %dma_start3A_122 = tpu.memref_squeeze %dma_start3A_121 : memref<1x96x321xf32, #tpu.memory_space<hbm>> -> memref<96x321xf32, #tpu.memory_space<hbm>>
      %dma_start3A_123 = arith.constant 0 : i32
      %dma_start3A_124 = arith.constant 0 : i32
      %dma_start3A_125 = tpu.memref_slice %arg4[%add3A_116, %dma_start3A_123, %dma_start3A_124] : memref<4096x96x321xf32, #tpu.memory_space<hbm>> -> memref<1x96x321xf32, #tpu.memory_space<hbm>>
      %dma_start3A_126 = tpu.memref_squeeze %dma_start3A_125 : memref<1x96x321xf32, #tpu.memory_space<hbm>> -> memref<96x321xf32, #tpu.memory_space<hbm>>
      %dma_start3A_127 = arith.constant 0 : i32
      %dma_start3A_128 = tpu.memref_slice %arg5[%squeeze3A_111, %dma_start3A_127] : memref<336x321xf32, #tpu.memory_space<vmem>> -> memref<96x321xf32, #tpu.memory_space<vmem>>
      tpu.enqueue_dma source(%dma_start3A_128 : memref<96x321xf32, #tpu.memory_space<vmem>>) target(%dma_start3A_126 : memref<96x321xf32, #tpu.memory_space<hbm>>) target_semaphore(%arg7 : memref<!tpu.dma_semaphore, #tpu.memory_space<semaphore_mem>>)
      %slice3A_129 = vector.extract_strided_slice %get3A_17 {offsets = [6], sizes = [1], strides = [1]} : vector<16xi32> to vector<1xi32>
      %squeeze3A_130 = vector.extract %slice3A_129[0] : i32 from vector<1xi32>
      %mul3A_131 = arith.constant 16 : i32
      %mul3A_132 = arith.muli %scan3A_13, %mul3A_131 : i32
      %add3A_133 = arith.addi %mul3A_2, %mul3A_132 : i32
      %add3A_134 = arith.constant 6 : i32
      %add3A_135 = arith.addi %add3A_133, %add3A_134 : i32
      %dma_start3A_136 = arith.constant 0 : i32
      %dma_start3A_137 = tpu.memref_slice %arg5[%squeeze3A_130, %dma_start3A_136] : memref<336x321xf32, #tpu.memory_space<vmem>> -> memref<96x321xf32, #tpu.memory_space<vmem>>
      %dma_start3A_138 = arith.constant 0 : i32
      %dma_start3A_139 = arith.constant 0 : i32
      %dma_start3A_140 = tpu.memref_slice %arg4[%add3A_135, %dma_start3A_138, %dma_start3A_139] : memref<4096x96x321xf32, #tpu.memory_space<hbm>> -> memref<1x96x321xf32, #tpu.memory_space<hbm>>
      %dma_start3A_141 = tpu.memref_squeeze %dma_start3A_140 : memref<1x96x321xf32, #tpu.memory_space<hbm>> -> memref<96x321xf32, #tpu.memory_space<hbm>>
      %dma_start3A_142 = arith.constant 0 : i32
      %dma_start3A_143 = arith.constant 0 : i32
      %dma_start3A_144 = tpu.memref_slice %arg4[%add3A_135, %dma_start3A_142, %dma_start3A_143] : memref<4096x96x321xf32, #tpu.memory_space<hbm>> -> memref<1x96x321xf32, #tpu.memory_space<hbm>>
      %dma_start3A_145 = tpu.memref_squeeze %dma_start3A_144 : memref<1x96x321xf32, #tpu.memory_space<hbm>> -> memref<96x321xf32, #tpu.memory_space<hbm>>
      %dma_start3A_146 = arith.constant 0 : i32
      %dma_start3A_147 = tpu.memref_slice %arg5[%squeeze3A_130, %dma_start3A_146] : memref<336x321xf32, #tpu.memory_space<vmem>> -> memref<96x321xf32, #tpu.memory_space<vmem>>
      tpu.enqueue_dma source(%dma_start3A_147 : memref<96x321xf32, #tpu.memory_space<vmem>>) target(%dma_start3A_145 : memref<96x321xf32, #tpu.memory_space<hbm>>) target_semaphore(%arg7 : memref<!tpu.dma_semaphore, #tpu.memory_space<semaphore_mem>>)
      %slice3A_148 = vector.extract_strided_slice %get3A_17 {offsets = [7], sizes = [1], strides = [1]} : vector<16xi32> to vector<1xi32>
      %squeeze3A_149 = vector.extract %slice3A_148[0] : i32 from vector<1xi32>
      %mul3A_150 = arith.constant 16 : i32
      %mul3A_151 = arith.muli %scan3A_13, %mul3A_150 : i32
      %add3A_152 = arith.addi %mul3A_2, %mul3A_151 : i32
      %add3A_153 = arith.constant 7 : i32
      %add3A_154 = arith.addi %add3A_152, %add3A_153 : i32
      %dma_start3A_155 = arith.constant 0 : i32
      %dma_start3A_156 = tpu.memref_slice %arg5[%squeeze3A_149, %dma_start3A_155] : memref<336x321xf32, #tpu.memory_space<vmem>> -> memref<96x321xf32, #tpu.memory_space<vmem>>
      %dma_start3A_157 = arith.constant 0 : i32
      %dma_start3A_158 = arith.constant 0 : i32
      %dma_start3A_159 = tpu.memref_slice %arg4[%add3A_154, %dma_start3A_157, %dma_start3A_158] : memref<4096x96x321xf32, #tpu.memory_space<hbm>> -> memref<1x96x321xf32, #tpu.memory_space<hbm>>
      %dma_start3A_160 = tpu.memref_squeeze %dma_start3A_159 : memref<1x96x321xf32, #tpu.memory_space<hbm>> -> memref<96x321xf32, #tpu.memory_space<hbm>>
      %dma_start3A_161 = arith.constant 0 : i32
      %dma_start3A_162 = arith.constant 0 : i32
      %dma_start3A_163 = tpu.memref_slice %arg4[%add3A_154, %dma_start3A_161, %dma_start3A_162] : memref<4096x96x321xf32, #tpu.memory_space<hbm>> -> memref<1x96x321xf32, #tpu.memory_space<hbm>>
      %dma_start3A_164 = tpu.memref_squeeze %dma_start3A_163 : memref<1x96x321xf32, #tpu.memory_space<hbm>> -> memref<96x321xf32, #tpu.memory_space<hbm>>
      %dma_start3A_165 = arith.constant 0 : i32
      %dma_start3A_166 = tpu.memref_slice %arg5[%squeeze3A_149, %dma_start3A_165] : memref<336x321xf32, #tpu.memory_space<vmem>> -> memref<96x321xf32, #tpu.memory_space<vmem>>
      tpu.enqueue_dma source(%dma_start3A_166 : memref<96x321xf32, #tpu.memory_space<vmem>>) target(%dma_start3A_164 : memref<96x321xf32, #tpu.memory_space<hbm>>) target_semaphore(%arg7 : memref<!tpu.dma_semaphore, #tpu.memory_space<semaphore_mem>>)
      %slice3A_167 = vector.extract_strided_slice %get3A_17 {offsets = [8], sizes = [1], strides = [1]} : vector<16xi32> to vector<1xi32>
      %squeeze3A_168 = vector.extract %slice3A_167[0] : i32 from vector<1xi32>
      %mul3A_169 = arith.constant 16 : i32
      %mul3A_170 = arith.muli %scan3A_13, %mul3A_169 : i32
      %add3A_171 = arith.addi %mul3A_2, %mul3A_170 : i32
      %add3A_172 = arith.constant 8 : i32
      %add3A_173 = arith.addi %add3A_171, %add3A_172 : i32
      %dma_start3A_174 = arith.constant 0 : i32
      %dma_start3A_175 = tpu.memref_slice %arg5[%squeeze3A_168, %dma_start3A_174] : memref<336x321xf32, #tpu.memory_space<vmem>> -> memref<96x321xf32, #tpu.memory_space<vmem>>
      %dma_start3A_176 = arith.constant 0 : i32
      %dma_start3A_177 = arith.constant 0 : i32
      %dma_start3A_178 = tpu.memref_slice %arg4[%add3A_173, %dma_start3A_176, %dma_start3A_177] : memref<4096x96x321xf32, #tpu.memory_space<hbm>> -> memref<1x96x321xf32, #tpu.memory_space<hbm>>
      %dma_start3A_179 = tpu.memref_squeeze %dma_start3A_178 : memref<1x96x321xf32, #tpu.memory_space<hbm>> -> memref<96x321xf32, #tpu.memory_space<hbm>>
      %dma_start3A_180 = arith.constant 0 : i32
      %dma_start3A_181 = arith.constant 0 : i32
      %dma_start3A_182 = tpu.memref_slice %arg4[%add3A_173, %dma_start3A_180, %dma_start3A_181] : memref<4096x96x321xf32, #tpu.memory_space<hbm>> -> memref<1x96x321xf32, #tpu.memory_space<hbm>>
      %dma_start3A_183 = tpu.memref_squeeze %dma_start3A_182 : memref<1x96x321xf32, #tpu.memory_space<hbm>> -> memref<96x321xf32, #tpu.memory_space<hbm>>
      %dma_start3A_184 = arith.constant 0 : i32
      %dma_start3A_185 = tpu.memref_slice %arg5[%squeeze3A_168, %dma_start3A_184] : memref<336x321xf32, #tpu.memory_space<vmem>> -> memref<96x321xf32, #tpu.memory_space<vmem>>
      tpu.enqueue_dma source(%dma_start3A_185 : memref<96x321xf32, #tpu.memory_space<vmem>>) target(%dma_start3A_183 : memref<96x321xf32, #tpu.memory_space<hbm>>) target_semaphore(%arg7 : memref<!tpu.dma_semaphore, #tpu.memory_space<semaphore_mem>>)
      %slice3A_186 = vector.extract_strided_slice %get3A_17 {offsets = [9], sizes = [1], strides = [1]} : vector<16xi32> to vector<1xi32>
      %squeeze3A_187 = vector.extract %slice3A_186[0] : i32 from vector<1xi32>
      %mul3A_188 = arith.constant 16 : i32
      %mul3A_189 = arith.muli %scan3A_13, %mul3A_188 : i32
      %add3A_190 = arith.addi %mul3A_2, %mul3A_189 : i32
      %add3A_191 = arith.constant 9 : i32
      %add3A_192 = arith.addi %add3A_190, %add3A_191 : i32
      %dma_start3A_193 = arith.constant 0 : i32
      %dma_start3A_194 = tpu.memref_slice %arg5[%squeeze3A_187, %dma_start3A_193] : memref<336x321xf32, #tpu.memory_space<vmem>> -> memref<96x321xf32, #tpu.memory_space<vmem>>
      %dma_start3A_195 = arith.constant 0 : i32
      %dma_start3A_196 = arith.constant 0 : i32
      %dma_start3A_197 = tpu.memref_slice %arg4[%add3A_192, %dma_start3A_195, %dma_start3A_196] : memref<4096x96x321xf32, #tpu.memory_space<hbm>> -> memref<1x96x321xf32, #tpu.memory_space<hbm>>
      %dma_start3A_198 = tpu.memref_squeeze %dma_start3A_197 : memref<1x96x321xf32, #tpu.memory_space<hbm>> -> memref<96x321xf32, #tpu.memory_space<hbm>>
      %dma_start3A_199 = arith.constant 0 : i32
      %dma_start3A_200 = arith.constant 0 : i32
      %dma_start3A_201 = tpu.memref_slice %arg4[%add3A_192, %dma_start3A_199, %dma_start3A_200] : memref<4096x96x321xf32, #tpu.memory_space<hbm>> -> memref<1x96x321xf32, #tpu.memory_space<hbm>>
      %dma_start3A_202 = tpu.memref_squeeze %dma_start3A_201 : memref<1x96x321xf32, #tpu.memory_space<hbm>> -> memref<96x321xf32, #tpu.memory_space<hbm>>
      %dma_start3A_203 = arith.constant 0 : i32
      %dma_start3A_204 = tpu.memref_slice %arg5[%squeeze3A_187, %dma_start3A_203] : memref<336x321xf32, #tpu.memory_space<vmem>> -> memref<96x321xf32, #tpu.memory_space<vmem>>
      tpu.enqueue_dma source(%dma_start3A_204 : memref<96x321xf32, #tpu.memory_space<vmem>>) target(%dma_start3A_202 : memref<96x321xf32, #tpu.memory_space<hbm>>) target_semaphore(%arg7 : memref<!tpu.dma_semaphore, #tpu.memory_space<semaphore_mem>>)
      %slice3A_205 = vector.extract_strided_slice %get3A_17 {offsets = [10], sizes = [1], strides = [1]} : vector<16xi32> to vector<1xi32>
      %squeeze3A_206 = vector.extract %slice3A_205[0] : i32 from vector<1xi32>
      %mul3A_207 = arith.constant 16 : i32
      %mul3A_208 = arith.muli %scan3A_13, %mul3A_207 : i32
      %add3A_209 = arith.addi %mul3A_2, %mul3A_208 : i32
      %add3A_210 = arith.constant 10 : i32
      %add3A_211 = arith.addi %add3A_209, %add3A_210 : i32
      %dma_start3A_212 = arith.constant 0 : i32
      %dma_start3A_213 = tpu.memref_slice %arg5[%squeeze3A_206, %dma_start3A_212] : memref<336x321xf32, #tpu.memory_space<vmem>> -> memref<96x321xf32, #tpu.memory_space<vmem>>
      %dma_start3A_214 = arith.constant 0 : i32
      %dma_start3A_215 = arith.constant 0 : i32
      %dma_start3A_216 = tpu.memref_slice %arg4[%add3A_211, %dma_start3A_214, %dma_start3A_215] : memref<4096x96x321xf32, #tpu.memory_space<hbm>> -> memref<1x96x321xf32, #tpu.memory_space<hbm>>
      %dma_start3A_217 = tpu.memref_squeeze %dma_start3A_216 : memref<1x96x321xf32, #tpu.memory_space<hbm>> -> memref<96x321xf32, #tpu.memory_space<hbm>>
      %dma_start3A_218 = arith.constant 0 : i32
      %dma_start3A_219 = arith.constant 0 : i32
      %dma_start3A_220 = tpu.memref_slice %arg4[%add3A_211, %dma_start3A_218, %dma_start3A_219] : memref<4096x96x321xf32, #tpu.memory_space<hbm>> -> memref<1x96x321xf32, #tpu.memory_space<hbm>>
      %dma_start3A_221 = tpu.memref_squeeze %dma_start3A_220 : memref<1x96x321xf32, #tpu.memory_space<hbm>> -> memref<96x321xf32, #tpu.memory_space<hbm>>
      %dma_start3A_222 = arith.constant 0 : i32
      %dma_start3A_223 = tpu.memref_slice %arg5[%squeeze3A_206, %dma_start3A_222] : memref<336x321xf32, #tpu.memory_space<vmem>> -> memref<96x321xf32, #tpu.memory_space<vmem>>
      tpu.enqueue_dma source(%dma_start3A_223 : memref<96x321xf32, #tpu.memory_space<vmem>>) target(%dma_start3A_221 : memref<96x321xf32, #tpu.memory_space<hbm>>) target_semaphore(%arg7 : memref<!tpu.dma_semaphore, #tpu.memory_space<semaphore_mem>>)
      %slice3A_224 = vector.extract_strided_slice %get3A_17 {offsets = [11], sizes = [1], strides = [1]} : vector<16xi32> to vector<1xi32>
      %squeeze3A_225 = vector.extract %slice3A_224[0] : i32 from vector<1xi32>
      %mul3A_226 = arith.constant 16 : i32
      %mul3A_227 = arith.muli %scan3A_13, %mul3A_226 : i32
      %add3A_228 = arith.addi %mul3A_2, %mul3A_227 : i32
      %add3A_229 = arith.constant 11 : i32
      %add3A_230 = arith.addi %add3A_228, %add3A_229 : i32
      %dma_start3A_231 = arith.constant 0 : i32
      %dma_start3A_232 = tpu.memref_slice %arg5[%squeeze3A_225, %dma_start3A_231] : memref<336x321xf32, #tpu.memory_space<vmem>> -> memref<96x321xf32, #tpu.memory_space<vmem>>
      %dma_start3A_233 = arith.constant 0 : i32
      %dma_start3A_234 = arith.constant 0 : i32
      %dma_start3A_235 = tpu.memref_slice %arg4[%add3A_230, %dma_start3A_233, %dma_start3A_234] : memref<4096x96x321xf32, #tpu.memory_space<hbm>> -> memref<1x96x321xf32, #tpu.memory_space<hbm>>
      %dma_start3A_236 = tpu.memref_squeeze %dma_start3A_235 : memref<1x96x321xf32, #tpu.memory_space<hbm>> -> memref<96x321xf32, #tpu.memory_space<hbm>>
      %dma_start3A_237 = arith.constant 0 : i32
      %dma_start3A_238 = arith.constant 0 : i32
      %dma_start3A_239 = tpu.memref_slice %arg4[%add3A_230, %dma_start3A_237, %dma_start3A_238] : memref<4096x96x321xf32, #tpu.memory_space<hbm>> -> memref<1x96x321xf32, #tpu.memory_space<hbm>>
      %dma_start3A_240 = tpu.memref_squeeze %dma_start3A_239 : memref<1x96x321xf32, #tpu.memory_space<hbm>> -> memref<96x321xf32, #tpu.memory_space<hbm>>
      %dma_start3A_241 = arith.constant 0 : i32
      %dma_start3A_242 = tpu.memref_slice %arg5[%squeeze3A_225, %dma_start3A_241] : memref<336x321xf32, #tpu.memory_space<vmem>> -> memref<96x321xf32, #tpu.memory_space<vmem>>
      tpu.enqueue_dma source(%dma_start3A_242 : memref<96x321xf32, #tpu.memory_space<vmem>>) target(%dma_start3A_240 : memref<96x321xf32, #tpu.memory_space<hbm>>) target_semaphore(%arg7 : memref<!tpu.dma_semaphore, #tpu.memory_space<semaphore_mem>>)
      %slice3A_243 = vector.extract_strided_slice %get3A_17 {offsets = [12], sizes = [1], strides = [1]} : vector<16xi32> to vector<1xi32>
      %squeeze3A_244 = vector.extract %slice3A_243[0] : i32 from vector<1xi32>
      %mul3A_245 = arith.constant 16 : i32
      %mul3A_246 = arith.muli %scan3A_13, %mul3A_245 : i32
      %add3A_247 = arith.addi %mul3A_2, %mul3A_246 : i32
      %add3A_248 = arith.constant 12 : i32
      %add3A_249 = arith.addi %add3A_247, %add3A_248 : i32
      %dma_start3A_250 = arith.constant 0 : i32
      %dma_start3A_251 = tpu.memref_slice %arg5[%squeeze3A_244, %dma_start3A_250] : memref<336x321xf32, #tpu.memory_space<vmem>> -> memref<96x321xf32, #tpu.memory_space<vmem>>
      %dma_start3A_252 = arith.constant 0 : i32
      %dma_start3A_253 = arith.constant 0 : i32
      %dma_start3A_254 = tpu.memref_slice %arg4[%add3A_249, %dma_start3A_252, %dma_start3A_253] : memref<4096x96x321xf32, #tpu.memory_space<hbm>> -> memref<1x96x321xf32, #tpu.memory_space<hbm>>
      %dma_start3A_255 = tpu.memref_squeeze %dma_start3A_254 : memref<1x96x321xf32, #tpu.memory_space<hbm>> -> memref<96x321xf32, #tpu.memory_space<hbm>>
      %dma_start3A_256 = arith.constant 0 : i32
      %dma_start3A_257 = arith.constant 0 : i32
      %dma_start3A_258 = tpu.memref_slice %arg4[%add3A_249, %dma_start3A_256, %dma_start3A_257] : memref<4096x96x321xf32, #tpu.memory_space<hbm>> -> memref<1x96x321xf32, #tpu.memory_space<hbm>>
      %dma_start3A_259 = tpu.memref_squeeze %dma_start3A_258 : memref<1x96x321xf32, #tpu.memory_space<hbm>> -> memref<96x321xf32, #tpu.memory_space<hbm>>
      %dma_start3A_260 = arith.constant 0 : i32
      %dma_start3A_261 = tpu.memref_slice %arg5[%squeeze3A_244, %dma_start3A_260] : memref<336x321xf32, #tpu.memory_space<vmem>> -> memref<96x321xf32, #tpu.memory_space<vmem>>
      tpu.enqueue_dma source(%dma_start3A_261 : memref<96x321xf32, #tpu.memory_space<vmem>>) target(%dma_start3A_259 : memref<96x321xf32, #tpu.memory_space<hbm>>) target_semaphore(%arg7 : memref<!tpu.dma_semaphore, #tpu.memory_space<semaphore_mem>>)
      %slice3A_262 = vector.extract_strided_slice %get3A_17 {offsets = [13], sizes = [1], strides = [1]} : vector<16xi32> to vector<1xi32>
      %squeeze3A_263 = vector.extract %slice3A_262[0] : i32 from vector<1xi32>
      %mul3A_264 = arith.constant 16 : i32
      %mul3A_265 = arith.muli %scan3A_13, %mul3A_264 : i32
      %add3A_266 = arith.addi %mul3A_2, %mul3A_265 : i32
      %add3A_267 = arith.constant 13 : i32
      %add3A_268 = arith.addi %add3A_266, %add3A_267 : i32
      %dma_start3A_269 = arith.constant 0 : i32
      %dma_start3A_270 = tpu.memref_slice %arg5[%squeeze3A_263, %dma_start3A_269] : memref<336x321xf32, #tpu.memory_space<vmem>> -> memref<96x321xf32, #tpu.memory_space<vmem>>
      %dma_start3A_271 = arith.constant 0 : i32
      %dma_start3A_272 = arith.constant 0 : i32
      %dma_start3A_273 = tpu.memref_slice %arg4[%add3A_268, %dma_start3A_271, %dma_start3A_272] : memref<4096x96x321xf32, #tpu.memory_space<hbm>> -> memref<1x96x321xf32, #tpu.memory_space<hbm>>
      %dma_start3A_274 = tpu.memref_squeeze %dma_start3A_273 : memref<1x96x321xf32, #tpu.memory_space<hbm>> -> memref<96x321xf32, #tpu.memory_space<hbm>>
      %dma_start3A_275 = arith.constant 0 : i32
      %dma_start3A_276 = arith.constant 0 : i32
      %dma_start3A_277 = tpu.memref_slice %arg4[%add3A_268, %dma_start3A_275, %dma_start3A_276] : memref<4096x96x321xf32, #tpu.memory_space<hbm>> -> memref<1x96x321xf32, #tpu.memory_space<hbm>>
      %dma_start3A_278 = tpu.memref_squeeze %dma_start3A_277 : memref<1x96x321xf32, #tpu.memory_space<hbm>> -> memref<96x321xf32, #tpu.memory_space<hbm>>
      %dma_start3A_279 = arith.constant 0 : i32
      %dma_start3A_280 = tpu.memref_slice %arg5[%squeeze3A_263, %dma_start3A_279] : memref<336x321xf32, #tpu.memory_space<vmem>> -> memref<96x321xf32, #tpu.memory_space<vmem>>
      tpu.enqueue_dma source(%dma_start3A_280 : memref<96x321xf32, #tpu.memory_space<vmem>>) target(%dma_start3A_278 : memref<96x321xf32, #tpu.memory_space<hbm>>) target_semaphore(%arg7 : memref<!tpu.dma_semaphore, #tpu.memory_space<semaphore_mem>>)
      %slice3A_281 = vector.extract_strided_slice %get3A_17 {offsets = [14], sizes = [1], strides = [1]} : vector<16xi32> to vector<1xi32>
      %squeeze3A_282 = vector.extract %slice3A_281[0] : i32 from vector<1xi32>
      %mul3A_283 = arith.constant 16 : i32
      %mul3A_284 = arith.muli %scan3A_13, %mul3A_283 : i32
      %add3A_285 = arith.addi %mul3A_2, %mul3A_284 : i32
      %add3A_286 = arith.constant 14 : i32
      %add3A_287 = arith.addi %add3A_285, %add3A_286 : i32
      %dma_start3A_288 = arith.constant 0 : i32
      %dma_start3A_289 = tpu.memref_slice %arg5[%squeeze3A_282, %dma_start3A_288] : memref<336x321xf32, #tpu.memory_space<vmem>> -> memref<96x321xf32, #tpu.memory_space<vmem>>
      %dma_start3A_290 = arith.constant 0 : i32
      %dma_start3A_291 = arith.constant 0 : i32
      %dma_start3A_292 = tpu.memref_slice %arg4[%add3A_287, %dma_start3A_290, %dma_start3A_291] : memref<4096x96x321xf32, #tpu.memory_space<hbm>> -> memref<1x96x321xf32, #tpu.memory_space<hbm>>
      %dma_start3A_293 = tpu.memref_squeeze %dma_start3A_292 : memref<1x96x321xf32, #tpu.memory_space<hbm>> -> memref<96x321xf32, #tpu.memory_space<hbm>>
      %dma_start3A_294 = arith.constant 0 : i32
      %dma_start3A_295 = arith.constant 0 : i32
      %dma_start3A_296 = tpu.memref_slice %arg4[%add3A_287, %dma_start3A_294, %dma_start3A_295] : memref<4096x96x321xf32, #tpu.memory_space<hbm>> -> memref<1x96x321xf32, #tpu.memory_space<hbm>>
      %dma_start3A_297 = tpu.memref_squeeze %dma_start3A_296 : memref<1x96x321xf32, #tpu.memory_space<hbm>> -> memref<96x321xf32, #tpu.memory_space<hbm>>
      %dma_start3A_298 = arith.constant 0 : i32
      %dma_start3A_299 = tpu.memref_slice %arg5[%squeeze3A_282, %dma_start3A_298] : memref<336x321xf32, #tpu.memory_space<vmem>> -> memref<96x321xf32, #tpu.memory_space<vmem>>
      tpu.enqueue_dma source(%dma_start3A_299 : memref<96x321xf32, #tpu.memory_space<vmem>>) target(%dma_start3A_297 : memref<96x321xf32, #tpu.memory_space<hbm>>) target_semaphore(%arg7 : memref<!tpu.dma_semaphore, #tpu.memory_space<semaphore_mem>>)
      %slice3A_300 = vector.extract_strided_slice %get3A_17 {offsets = [15], sizes = [1], strides = [1]} : vector<16xi32> to vector<1xi32>
      %squeeze3A_301 = vector.extract %slice3A_300[0] : i32 from vector<1xi32>
      %mul3A_302 = arith.constant 16 : i32
      %mul3A_303 = arith.muli %scan3A_13, %mul3A_302 : i32
      %add3A_304 = arith.addi %mul3A_2, %mul3A_303 : i32
      %add3A_305 = arith.constant 15 : i32
      %add3A_306 = arith.addi %add3A_304, %add3A_305 : i32
      %dma_start3A_307 = arith.constant 0 : i32
      %dma_start3A_308 = tpu.memref_slice %arg5[%squeeze3A_301, %dma_start3A_307] : memref<336x321xf32, #tpu.memory_space<vmem>> -> memref<96x321xf32, #tpu.memory_space<vmem>>
      %dma_start3A_309 = arith.constant 0 : i32
      %dma_start3A_310 = arith.constant 0 : i32
      %dma_start3A_311 = tpu.memref_slice %arg4[%add3A_306, %dma_start3A_309, %dma_start3A_310] : memref<4096x96x321xf32, #tpu.memory_space<hbm>> -> memref<1x96x321xf32, #tpu.memory_space<hbm>>
      %dma_start3A_312 = tpu.memref_squeeze %dma_start3A_311 : memref<1x96x321xf32, #tpu.memory_space<hbm>> -> memref<96x321xf32, #tpu.memory_space<hbm>>
      %dma_start3A_313 = arith.constant 0 : i32
      %dma_start3A_314 = arith.constant 0 : i32
      %dma_start3A_315 = tpu.memref_slice %arg4[%add3A_306, %dma_start3A_313, %dma_start3A_314] : memref<4096x96x321xf32, #tpu.memory_space<hbm>> -> memref<1x96x321xf32, #tpu.memory_space<hbm>>
      %dma_start3A_316 = tpu.memref_squeeze %dma_start3A_315 : memref<1x96x321xf32, #tpu.memory_space<hbm>> -> memref<96x321xf32, #tpu.memory_space<hbm>>
      %dma_start3A_317 = arith.constant 0 : i32
      %dma_start3A_318 = tpu.memref_slice %arg5[%squeeze3A_301, %dma_start3A_317] : memref<336x321xf32, #tpu.memory_space<vmem>> -> memref<96x321xf32, #tpu.memory_space<vmem>>
      tpu.enqueue_dma source(%dma_start3A_318 : memref<96x321xf32, #tpu.memory_space<vmem>>) target(%dma_start3A_316 : memref<96x321xf32, #tpu.memory_space<hbm>>) target_semaphore(%arg7 : memref<!tpu.dma_semaphore, #tpu.memory_space<semaphore_mem>>)
    }
    %scan3A_7 = arith.constant 8 : i32
    %dma_wait3A = arith.constant 0 : i32
    %dma_wait3A_8 = arith.constant 0 : i32
    %dma_wait3A_9 = tpu.memref_slice %arg4[%mul3A_2, %dma_wait3A, %dma_wait3A_8] : memref<4096x96x321xf32, #tpu.memory_space<hbm>> -> memref<128x96x321xf32, #tpu.memory_space<hbm>>
    %dma_wait3A_10 = arith.constant 0 : i32
    %dma_wait3A_11 = arith.constant 0 : i32
    %dma_wait3A_12 = tpu.memref_slice %arg4[%mul3A_2, %dma_wait3A_10, %dma_wait3A_11] : memref<4096x96x321xf32, #tpu.memory_space<hbm>> -> memref<128x96x321xf32, #tpu.memory_space<hbm>>
    tpu.wait_dma2 semaphore(%arg7 : memref<!tpu.dma_semaphore, #tpu.memory_space<semaphore_mem>>) src(%dma_wait3A_12 : memref<128x96x321xf32, #tpu.memory_space<hbm>>) dst(%dma_wait3A_9 : memref<128x96x321xf32, #tpu.memory_space<hbm>>)
    return
  }
}

</mosaic_0001>

<sc_bundles>
// kernel: kernel.3.cloned.1.call-start
scs
__scs_entry_jumppad:
0x0: {  	(pc) =	sbr.rel $0x88, $3  }
0x1: {  	(tag) =	ssettag $0x0;
	lr =	simm.s32 $0x1  }
0x2: {  	[smem:$0x3F9E] =	sst lr;
	_ =	strace $0xD0000000  }
0x3: {  	_ = 	snop  }
0x4: {  	_ = 	snop  }
0x5: {  	_ = 	snop  }
0x6: {  	_ = 	snop  }
0x7: {  	_ = 	snop  }
__scs_overlays_trampoline_lowered:
0x8: {  	[smem:$0x3FAD] =	sst s0  }
0x9: {  	[smem:$0x3FAE] =	sst s1  }
0xa: {  	[smem:$0x3FAF] =	sst s2  }
0xb: {  	[smem:$0x3FB0] =	sst s3  }
0xc: {  	[smem:$0x3FB1] =	sst s4  }
0xd: {  	[smem:$0x3FB2] =	sst s5  }
0xe: {  	[smem:$0x3FB3] =	sst s6  }
0xf: {  	[smem:$0x3FB4] =	sst s7  }
0x10: {  	[smem:$0x3FB5] =	sst s8  }
0x11: {  	[smem:$0x3FB6] =	sst s9;
	s0 =	simm.s32 @!p0 $0x0  }
0x12: {  	s1 =	sld [smem:$0x3F9C];
	s0 =	simm.s32 @p0 $0x1  }
0x13: {  	[smem:$0x3FB7] =	sst s0;
	s0 =	simm.s32 @!p1 $0x0  }
0x14: {  	s2 =	sld [smem:$0x3F9B];
	s0 =	simm.s32 @p1 $0x1  }
0x15: {  	[smem:$0x3FB8] =	sst s0;
	s0 =	simm.s32 @!p2 $0x0  }
0x16: {  	s3 =	sld [smem:$0x3FDB];
	s0 =	simm.s32 @p2 $0x1  }
0x17: {  	s4 =	simm.s32 $0x1BF5;
	[smem:$0x3FBA] =	sst s0  }
0x18: {  	s0 =	sld [smem:$0x3F9D];
	_ =	swait.ge [sflag:s4], $0x0  }
0x19: {  	s7 =	sld [smem:$0x3F9E]  }
0x1a: {  	s8 =	sadd.s32 $0xFFFFE003, lr  }
0x1b: {  	s9 =	sadd.s32 $0xFFFFFEF7, lr;
	s5 =	simm.s32 $0xFFFFFFFF;
	p2 =	slt.u32 s8, $0xFFFFF086  }
0x1c: {  	p1 =	slt.u32 s9, $0xF7A;
	s5 =	simm.s32 @!p2 $0x0  }
0x1d: {  	s5 =	simm.s32 @p1 $0x1;
	p0 =	seq.s32 s7, s2  }
0x1e: {  	s7 =	smul.u32 @!p0 $0xF7A, s2;
	p2 =	seq.s32 @!p0 s5, $0x0  }
0x1f: {  	s9 =	smul.u32 $0xF7A, s1;
	s8 =	simm.s32 @!p0 $0x1BF5;
	p2 =	por !p2, p0  }
0x20: {  	[sflag:s8] =	ssyncset.s32 @!p0 $0xFFFFF086;
	s6 =	sadd.s32 @!p0 s3, s7;
	s7 =	simm.s32 @!p0 $0x108  }
0x21: {  	s3 =	sadd.s32 s3, s9;
	s6 =	sadd.s32 @!p0 $0x88, s6;
	s7 =	simm.s32 @p2 $0x1082  }
0x22: {  	[simem:s7], [sflag:s8] =	dma.local @!p0 [hbm:s6], $0xF7A  }
0x23: {  	s9 =	sor.u32 $0xD0000000, s2;
	s6 =	simm.s32 $0x108;
	_ =	swait.ge @!p0 [sflag:s8], $0x0  }
0x24: {  	s3 =	sadd.s32 $0x88, s3;
	s6 =	simm.s32 @!p1 $0x1082;
	[sflag:s4] =	ssyncset.s32 $0xFFFFF086  }
0x25: {  	[simem:s6], [sflag:s4] =	dma.local [hbm:s3], $0xF7A  }
0x26: {  	[smem:$0x3F9E] =	sst s1;
	(tag) =	ssettag s2;
	_ =	strace s9  }
0x27: {  	s1 =	sld [smem:$0x3FAE]  }
0x28: {  	s2 =	sld [smem:$0x3FAF]  }
0x29: {  	s4 =	sld [smem:$0x3FB1]  }
0x2a: {  	p0 =	seq.s32 s5, $0x0;
	s5 =	sld [smem:$0x3FB2]  }
0x2b: {  	s6 =	sld [smem:$0x3FB3]  }
0x2c: {  	s7 =	sld [smem:$0x3FB4]  }
0x2d: {  	s3 =	simm.s32 $0x108;
	s8 =	sld [smem:$0x3FB5]  }
0x2e: {  	s3 =	simm.s32 @!p0 $0x1082;
	s9 =	sld [smem:$0x3FB6]  }
0x2f: {  	lr =	sadd.s32 s0, s3;
	s0 =	sld [smem:$0x3FAD]  }
0x30: {  	s3 =	sld [smem:$0x3FB0]  }
0x31: {  	[smem:$0x3FB9] =	sst s10  }
0x32: {  	s10 =	sld [smem:$0x3FB7];
	_ =	sdelay $0x3  }
0x33: {  	p0 =	seq.s32 s10, $0x1;
	s10 =	sld [smem:$0x3FB9];
	_ =	sdelay $0x3  }
0x34: {  	[smem:$0x3FB9] =	sst s10  }
0x35: {  	s10 =	sld [smem:$0x3FB8];
	_ =	sdelay $0x3  }
0x36: {  	p1 =	seq.s32 s10, $0x1;
	s10 =	sld [smem:$0x3FB9];
	_ =	sdelay $0x3  }
0x37: {  	[smem:$0x3FB9] =	sst s10  }
0x38: {  	s10 =	sld [smem:$0x3FBA]  }
0x39: {  	_ = 	snop;
	(pc) =	sbr.ind lr, $3  }
0x3a: {  	_ = 	snop  }
0x3b: {  	_ = 	snop  }
0x3c: {  	p2 =	seq.s32 s10, $0x1;
	s10 =	sld [smem:$0x3FB9]  }
0x3d: {  	_ =	shalt  }
0x3e: {  	_ =	shalt  }
0x3f: {  	_ =	shalt  }
0x40: {  	_ =	shalt  }
0x41: {  	_ =	shalt  }
0x42: {  	_ =	shalt  }
0x43: {  	_ =	shalt  }
0x44: {  	_ =	shalt  }
0x45: {  	_ =	shalt  }
0x46: {  	_ =	shalt  }
0x47: {  	_ =	shalt  }
0x48: {  	_ =	shalt  }
0x49: {  	_ =	shalt  }
0x4a: {  	_ =	shalt  }
0x4b: {  	_ =	shalt  }
0x4c: {  	_ =	shalt  }
0x4d: {  	_ =	shalt  }
0x4e: {  	_ =	shalt  }
0x4f: {  	_ =	shalt  }
0x50: {  	_ =	shalt  }
0x51: {  	_ =	shalt  }
0x52: {  	_ =	shalt  }
0x53: {  	_ =	shalt  }
0x54: {  	_ =	shalt  }
0x55: {  	_ =	shalt  }
0x56: {  	_ =	shalt  }
0x57: {  	_ =	shalt  }
0x58: {  	_ =	shalt  }
0x59: {  	_ =	shalt  }
0x5a: {  	_ =	shalt  }
0x5b: {  	_ =	shalt  }
0x5c: {  	_ =	shalt  }
0x5d: {  	_ =	shalt  }
0x5e: {  	_ =	shalt  }
0x5f: {  	_ =	shalt  }
0x60: {  	_ =	shalt  }
0x61: {  	_ =	shalt  }
0x62: {  	_ =	shalt  }
0x63: {  	_ =	shalt  }
0x64: {  	_ =	shalt  }
0x65: {  	_ =	shalt  }
0x66: {  	_ =	shalt  }
0x67: {  	_ =	shalt  }
0x68: {  	_ =	shalt  }
0x69: {  	_ =	shalt  }
0x6a: {  	_ =	shalt  }
0x6b: {  	_ =	shalt  }
0x6c: {  	_ =	shalt  }
0x6d: {  	_ =	shalt  }
0x6e: {  	_ =	shalt  }
0x6f: {  	_ =	shalt  }
0x70: {  	_ =	shalt  }
0x71: {  	_ =	shalt  }
0x72: {  	_ =	shalt  }
0x73: {  	_ =	shalt  }
0x74: {  	_ =	shalt  }
0x75: {  	_ =	shalt  }
0x76: {  	_ =	shalt  }
0x77: {  	_ =	shalt  }
0x78: {  	_ =	shalt  }
0x79: {  	_ =	shalt  }
0x7a: {  	_ =	shalt  }
0x7b: {  	_ =	shalt  }
0x7c: {  	_ =	shalt  }
0x7d: {  	_ =	shalt  }
0x7e: {  	_ =	shalt  }
0x7f: {  	_ =	shalt  }
0x80: {  	_ =	shalt  }
0x81: {  	_ =	shalt  }
0x82: {  	_ =	shalt  }
0x83: {  	_ =	shalt  }
0x84: {  	_ =	shalt  }
0x85: {  	_ =	shalt  }
0x86: {  	_ =	shalt  }
0x87: {  	_ =	shalt  }
.Lfunc_end0:
.L_simem_size_0:
called_computation.1_lowered:
.L_overlay_start_0:
0x88: {  	s2 =	sld [smem:$0x3FD9]  }
0x89: {  	s3 =	sld [smem:$0x3FFE];
	_ =	sdelay $0x1  }
0x8a: {  	s1 =	srdreg.scid  }
0x8b: {  	s0 =	sand.u32 $0x1, s1  }
0x8c: {  	s17 =	sshll.u32 s0, $0xA;
	s2 =	sadd.s32 s3, s2  }
0x8d: {  	s2 =	sadd.s32 s2, s17  }
0x8e: {  	[smem:$0x3FC5] =	sst s2  }
0x8f: {  	_ = 	snop  }
0x90: {  	s2 =	sld [smem:$0x3FD0];
	(tm) =	ssettm $0x1  }
0x91: {  	s18 =	sld [smem:$0x3FFB];
	_ =	sdelay $0x3  }
0x92: {  	_ =	strace s18  }
0x93: {  	s3 =	sld [smem:$0x3FFC];
	_ =	sdelay $0x3  }
0x94: {  	_ =	strace s3  }
0x95: {  	s3 =	sld [smem:$0x3FFD];
	_ =	sdelay $0x3  }
0x96: {  	_ =	strace s3  }
0x97: {  	_ =	strace $0x8FFFFFFF  }
0x98: {  	s19 =	sld [smem:$0x3FDB];
	_ =	sdelay $0x1  }
0x99: {  	s4 =	simm.s32 $_scs_section_size  }
0x9a: {  	s5 =	simm.s32 $_size__tile_overlayer_lowered;
	s6 =	simm.s32 $_tile_overlayer_lowered  }
0x9b: {  	s22 =	simm.s32 $0x1BFF;
	s21 =	sshll.u32 s6, $0x1;
	s3 =	sadd.s32 s4, s19  }
0x9c: {  	s7 =	simm.s32 $0x0;
	s20 =	sshll.u32 s5, $0x1;
	s5 =	sadd.s32 s21, s3  }
0x9d: {  	[timem:s7], [sflag:s22] =	dma.local [hbm:s5], s20  }
0x9e: {  	_ =	swait.ge [sflag:s22], s20  }
0x9f: {  	s4 =	ssub.s32 $0x0, s20;
	[sflag:s22] =	ssyncset.done $0x0  }
0xa0: {  	[sflag:s22] =	ssyncadd.s32 s4;
	_ =	sdelay $0x1  }
0xa1: {  	s23 =	simm.s32 $0x1B8B  }
0xa2: {  	_ =	swait.ge [sflag:s23], $0x1  }
0xa3: {  	[sflag:s23] =	ssyncset.done $0x0  }
0xa4: {  	s25 =	simm.s32 $0x1B8E;
	s24 =	sld [smem:$0x3FFE];
	[sflag:s23] =	ssyncadd.s32 $0xFFFFFFFF  }
0xa5: {  	s26 =	simm.s32 $execute0_lowered;
	[smem:$0x3FD2] =	sst s25  }
0xa6: {  	s5 =	sshll.u32 s26, $0x1;
	_ =	strace $0x80000046;
	[dreg:$0x1] =	wrdreg $0xFFFFFFFF  }
0xa7: {  	s28 =	simm.s32 $_size_execute0_lowered;
	s3 =	sadd.s32 s3, s5;
	[dreg:$0x0] =	wrdreg $0x0  }
0xa8: {  	s5 =	sshll.u32 s28, $0x1;
	[dreg:$0x2] =	wrdreg s3  }
0xa9: {  	[dreg:$0x3] =	wrdreg s5  }
0xaa: {  	[dreg:$0x4] =	wrdreg $0xC0  }
0xab: {  	_ =	task [dreg:s7], $0x5FFFF  }
0xac: {  	[dreg:$0x1] =	wrdreg $0xFFFFFFFF  }
0xad: {  	[dreg:$0x0] =	wrdreg $0x60  }
0xae: {  	[dreg:$0x2] =	wrdreg s24  }
0xaf: {  	[dreg:$0x3] =	wrdreg s2  }
0xb0: {  	[dreg:$0x4] =	wrdreg $0x9  }
0xb1: {  	_ =	task.clear_ibuf [dreg:s7], $0x5FFFF;
	_ =	strace $0x90000046  }
0xb2: {  	s29 =	simm.s32 $0x9;
	_ =	strace $0x80000048  }
0xb3: {  	_ =	swait.ge [sflag:s29], $0x1  }
0xb4: {  	[sflag:s29] =	ssyncadd.s32 $0xFFFFFFFF  }
0xb5: {  	_ =	strace $0x90000048  }
0xb6: {  	_ =	sfence  }
0xb7: {  	s30 =	sld [smem:$0x0];
	_ =	sdelay $0x2  }
0xb8: {  	s31 =	sshll.u32 s1, $0xD;
	s1 =	sshrl.u32 s1, $0x2  }
0xb9: {  	s3 =	sand.u32 $0x4000, s31;
	s1 =	sadd.s32 s1, s30  }
0xba: {  	s0 =	sor.u32 s3, s0;
	s1 =	sshll.u32 s1, $0x11  }
0xbb: {  	s0 =	sor.u32 s1, s0  }
0xbc: {  	s0 =	sadd.s32 $0x8F2B, s0  }
0xbd: {  	[sflag:s0] =	ssyncadd.remote.s32 $0x1  }
0xbe: {  	_ =	sfence.sel $0xFFFF  }
0xbf: {  	[dreg:$0x0] =	wrdreg $0xFFFFFFFF;
	(pc) =	sbr.abs _section_cstart, $3  }
0xc0: {  	[dreg:$0x1] =	wrdreg $0xFFFFFFFF  }
0xc1: {  	_ =	task.clear_ibuf [dreg:s7], $0x2FFFF;
	_ =	strace $0x9FFFFFFF  }
0xc2: {  	(tm) =	ssettm $0x7FFFFFFF  }
0xc3: {  	_ =	shalt  }
tec
execute0_lowered:
.L_overlay_start_1:
0x0: {  	(tag) =	ssettag $0x1  }
0x1: {  	s5 =	rddreg [dreg:$0x0];
	s0 =	srdreg.scid  }
0x2: {  	s2 =	rddreg [dreg:$0x1];
	s1 =	stileid.u32;
	s3 =	simm.s32 $0x0  }
0x3: {  	s6 =	sand.u32 $0x1, s0;
	s0 =	rddreg [dreg:$0x2];
	s19 =	smul.u32 $0xF6000, s1  }
0x4: {  	s4 =	sshll.u32 s1, $0x8;
	[smem:$0x7FF] =	sst s3;
	s8 =	smul.u32 $0x7B0000, s1  }
0x5: {  	s7 =	sshll.u32 s6, $0x7;
	_ =	strace $0x80000047;
	s9 =	smul.u32 $0x3D8000, s6  }
0x6: {  	s10 =	ssub.s32 $0x2, s6;
	s11 =	smul.u32 $0x7B000, s6;
	s4 =	sor.u32 s7, s4  }
0x7: {  	s20 =	sshrl.u32 s10, $0x1;
	s4 =	sshrl.u32 s4, $0x3;
	s8 =	sadd.s32 s9, s8  }
0x8: {  	s6 =	ssub.s32 s10, s20;
	s4 =	sadd.s32 s4, s5;
	s5 =	sadd.s32 $0xA00, s5  }
0x9: {  	s9 =	sadd.s32 $0x73500, s8;
	s22 =	sadd.s32 $0x6BA00, s8;
	s23 =	sadd.s32 $0x63F00, s8  }
0xa: {  	s28 =	sadd.s32 $0x5C400, s8;
	s30 =	sadd.s32 $0x54900, s8;
	s31 =	sadd.s32 $0x4CE00, s8  }
0xb: {  	s12 =	sadd.s32 $0x45300, s8;
	s14 =	sadd.s32 $0x3D800, s8;
	s15 =	sadd.s32 $0x35D00, s8  }
0xc: {  	s7 =	sadd.s32 s19, s5;
	s21 =	sshrl.u32 s9, $0x3;
	s9 =	sshrl.u32 s22, $0x3  }
0xd: {  	s25 =	sshrl.u32 s23, $0x3;
	s29 =	sshrl.u32 s28, $0x3;
	s10 =	sshrl.u32 s31, $0x3  }
0xe: {  	s13 =	sshrl.u32 s12, $0x3;
	s17 =	sshrl.u32 s15, $0x3;
	s19 =	sadd.s32 $0x2E200, s8  }
0xf: {  	s22 =	sadd.s32 $0x1EC00, s8;
	s4 =	sadd.s32 $0x800, s4;
	s7 =	sadd.s32 s11, s7  }
0x10: {  	s24 =	sadd.s32 s9, s5;
	s26 =	sadd.s32 s25, s5;
	[dreg:$0x3] =	wrdreg s7  }
0x11: {  	s9 =	sshrl.u32 s30, $0x3;
	s11 =	sadd.s32 s10, s5;
	[dreg:$0x5] =	wrdreg s24  }
0x12: {  	s18 =	sadd.s32 s17, s5;
	s20 =	sshrl.u32 s19, $0x3;
	[dreg:$0x6] =	wrdreg s26  }
0x13: {  	s7 =	sadd.s32 s21, s5;
	s9 =	sadd.s32 s9, s5;
	[dreg:$0x9] =	wrdreg s11  }
0x14: {  	[dreg:$0xc] =	wrdreg s18;
	s21 =	sadd.s32 $0x26700, s8;
	s24 =	sshrl.u32 s22, $0x3  }
0x15: {  	s26 =	sadd.s32 $0x17100, s8;
	[dreg:$0x4] =	wrdreg s7;
	s7 =	sadd.s32 s29, s5  }
0x16: {  	[dreg:$0x8] =	wrdreg s9;
	s9 =	sshrl.u32 s14, $0x3;
	s25 =	sadd.s32 s24, s5  }
0x17: {  	s28 =	sshrl.u32 s26, $0x3;
	s29 =	sadd.s32 $0xF600, s8;
	[dreg:$0x7] =	wrdreg s7  }
0x18: {  	s8 =	sor.u32 $0x7B00, s8;
	s7 =	sadd.s32 s13, s5;
	[dreg:$0xf] =	wrdreg s25  }
0x19: {  	s16 =	sadd.s32 s9, s5;
	s9 =	sshrl.u32 s21, $0x3;
	[dreg:$0xa] =	wrdreg s7  }
0x1a: {  	s8 =	sshrl.u32 s8, $0x3;
	[dreg:$0xb] =	wrdreg s16;
	s7 =	sadd.s32 s20, s5  }
0x1b: {  	s23 =	sadd.s32 s9, s5;
	s9 =	sshrl.u32 s29, $0x3;
	[dreg:$0xd] =	wrdreg s7  }
0x1c: {  	s31 =	sadd.s32 s8, s5;
	s8 =	simm.s32 $0x1;
	[dreg:$0xe] =	wrdreg s23  }
0x1d: {  	s7 =	sadd.s32 s28, s5;
	s30 =	sadd.s32 s9, s5;
	[dreg:$0x12] =	wrdreg s31  }
0x1e: {  	s5 =	smax.u32 s6, $0x1;
	s6 =	simm.s32 $0x2;
	[dreg:$0x10] =	wrdreg s7  }
0x1f: {  	s9 =	simm.s32 $0x0;
	[dreg:$0x11] =	wrdreg s30;
	s7 =	simm.s32 $0xD740  }
.LBB2_1:
0x20: {  	[tilespmem:s3], [sflag:$0x2] =	stream.linear.gather [hbm4b:s2+s3], $0xD740, $0x38;
	[tilespmem:$0x1AF00] =	vst v63  }
0x21: {  	_ =	swait.ge [sflag:s6], $0xD740  }
0x22: {  	[sflag:s6] =	ssyncset.done $0x0  }
0x23: {  	[sflag:s6] =	ssyncadd.s32 $0xFFFF28C0  }
0x24: {  	[tilespmem:s7], [sflag:$0x2] =	stream.linear.gather [hbm4b:s2+s3], $0xD740, $0x38;
	[tilespmem:$0x1AF00] =	vst v63  }
0x25: {  	_ =	swait.ge [sflag:s6], $0xD740  }
0x26: {  	[sflag:s6] =	ssyncset.done $0x0  }
0x27: {  	s10 =	simm.s32 $0x1AE80;
	[sflag:s6] =	ssyncadd.s32 $0xFFFF28C0  }
0x28: {  	[tilespmem:s10], [sflag:$0x2] =	stream.linear.gather [hbm4b:s4+s3], $0x80, $0x38;
	[tilespmem:$0x1AF00] =	vst v63  }
0x29: {  	_ =	swait.ge [sflag:s6], $0x80  }
0x2a: {  	[sflag:s6] =	ssyncset.done $0x0  }
0x2b: {  	[sflag:s6] =	ssyncadd.s32 $0xFFFFFF80  }
0x2c: {  	v0 =	vld [tilespmem:s10+$0x0];
	_ =	sdelay $0x4  }
0x2d: {  	v0 =	vmul.u32 $0x520, v0;
	_ =	sdelay $0x1  }
0x2e: {  	v0 =	vshra.s32 v0, $0x2  }
0x2f: {  	(v2sf) =	vpush v0, $0x0;
	_ =	sdelay $0x1  }
0x30: {  	(v2sf) =	vpush v0, $0x1;
	_ =	sdelay $0x1  }
0x31: {  	(v2sf) =	vpush v0, $0x2;
	_ =	sdelay $0x1  }
0x32: {  	(v2sf) =	vpush v0, $0x3;
	_ =	sdelay $0x1  }
0x33: {  	(v2sf) =	vpush v0, $0x4;
	_ =	sdelay $0x1  }
0x34: {  	(v2sf) =	vpush v0, $0x5;
	_ =	sdelay $0x1  }
0x35: {  	(v2sf) =	vpush v0, $0x6  }
0x36: {  	s24 =	rddreg [dreg:$0x3]  }
0x37: {  	s11 =	rddreg [dreg:$0x12];
	(v2sf) =	vpush v0, $0x7  }
0x38: {  	s12 =	rddreg [dreg:$0x11];
	s10 =	sadd.s32 $0x0, s24;
	s13 =	spop (v2sf)  }
0x39: {  	(v2sf) =	vpush v0, $0x8;
	[hbm4b:s10+s3] =	stream.linear.scatter [tilespmem:s13], [sflag:$0x1], $0x7B00, $0x38;
	[tilespmem:$0x1AF00] =	vst v63  }
0x3a: {  	s26 =	rddreg [dreg:$0x10];
	s25 =	sadd.s32 $0x0, s11;
	s28 =	spop (v2sf);
	(v2sf) =	vpush v0, $0x9  }
0x3b: {  	[hbm4b:s25+s3] =	stream.linear.scatter [tilespmem:s28], [sflag:$0x1], $0x7B00, $0x38;
	[tilespmem:$0x1AF00] =	vst v63  }
0x3c: {  	s30 =	rddreg [dreg:$0xf];
	s29 =	sadd.s32 $0x0, s12;
	s31 =	spop (v2sf);
	(v2sf) =	vpush v0, $0xA  }
0x3d: {  	[hbm4b:s29+s3] =	stream.linear.scatter [tilespmem:s31], [sflag:$0x1], $0x7B00, $0x38;
	[tilespmem:$0x1AF00] =	vst v63  }
0x3e: {  	s14 =	rddreg [dreg:$0xe];
	s13 =	sadd.s32 $0x0, s26;
	s15 =	spop (v2sf);
	(v2sf) =	vpush v0, $0xB  }
0x3f: {  	[hbm4b:s13+s3] =	stream.linear.scatter [tilespmem:s15], [sflag:$0x1], $0x7B00, $0x38;
	[tilespmem:$0x1AF00] =	vst v63  }
0x40: {  	s17 =	rddreg [dreg:$0xd];
	s16 =	sadd.s32 $0x0, s30;
	s18 =	spop (v2sf);
	(v2sf) =	vpush v0, $0xC  }
0x41: {  	[hbm4b:s16+s3] =	stream.linear.scatter [tilespmem:s18], [sflag:$0x1], $0x7B00, $0x38;
	[tilespmem:$0x1AF00] =	vst v63  }
0x42: {  	s20 =	rddreg [dreg:$0xc];
	s19 =	sadd.s32 $0x0, s14;
	s21 =	spop (v2sf);
	(v2sf) =	vpush v0, $0xD  }
0x43: {  	[hbm4b:s19+s3] =	stream.linear.scatter [tilespmem:s21], [sflag:$0x1], $0x7B00, $0x38;
	[tilespmem:$0x1AF00] =	vst v63  }
0x44: {  	s23 =	rddreg [dreg:$0xb];
	s22 =	sadd.s32 $0x0, s17;
	s24 =	spop (v2sf);
	(v2sf) =	vpush v0, $0xE  }
0x45: {  	[hbm4b:s22+s3] =	stream.linear.scatter [tilespmem:s24], [sflag:$0x1], $0x7B00, $0x38;
	[tilespmem:$0x1AF00] =	vst v63  }
0x46: {  	s30 =	rddreg [dreg:$0x9];
	s25 =	sadd.s32 $0x0, s20;
	s28 =	spop (v2sf);
	(v2sf) =	vpush v0, $0xF  }
0x47: {  	[hbm4b:s25+s3] =	stream.linear.scatter [tilespmem:s28], [sflag:$0x1], $0x7B00, $0x38;
	[tilespmem:$0x1AF00] =	vst v63  }
0x48: {  	s11 =	simm.s32 $0x1AE90;
	s17 =	sadd.s32 $0x0, s30;
	s31 =	spop (v2sf)  }
0x49: {  	s26 =	rddreg [dreg:$0xa];
	s29 =	sadd.s32 $0x0, s23;
	s16 =	spop (v2sf)  }
0x4a: {  	[hbm4b:s29+s3] =	stream.linear.scatter [tilespmem:s31], [sflag:$0x1], $0x7B00, $0x38;
	[tilespmem:$0x1AF00] =	vst v63  }
0x4b: {  	s14 =	sadd.s32 $0x0, s26;
	s15 =	rddreg [dreg:$0x8];
	s19 =	spop (v2sf)  }
0x4c: {  	[hbm4b:s14+s3] =	stream.linear.scatter [tilespmem:s16], [sflag:$0x1], $0x7B00, $0x38;
	[tilespmem:$0x1AF00] =	vst v63  }
0x4d: {  	s10 =	simm.s32 $0xF600;
	s18 =	rddreg [dreg:$0x7];
	s22 =	spop (v2sf)  }
0x4e: {  	[hbm4b:s17+s3] =	stream.linear.scatter [tilespmem:s19], [sflag:$0x1], $0x7B00, $0x38;
	[tilespmem:$0x1AF00] =	vst v63  }
0x4f: {  	s20 =	sadd.s32 $0x0, s15;
	s21 =	rddreg [dreg:$0x6];
	s25 =	spop (v2sf)  }
0x50: {  	[hbm4b:s20+s3] =	stream.linear.scatter [tilespmem:s22], [sflag:$0x1], $0x7B00, $0x38;
	[tilespmem:$0x1AF00] =	vst v63  }
0x51: {  	s23 =	sadd.s32 $0x0, s18;
	s24 =	rddreg [dreg:$0x5];
	s28 =	spop (v2sf)  }
0x52: {  	[hbm4b:s23+s3] =	stream.linear.scatter [tilespmem:s25], [sflag:$0x1], $0x7B00, $0x38;
	[tilespmem:$0x1AF00] =	vst v63  }
0x53: {  	s26 =	sadd.s32 $0x0, s21;
	s29 =	rddreg [dreg:$0x4];
	s31 =	spop (v2sf)  }
0x54: {  	[hbm4b:s26+s3] =	stream.linear.scatter [tilespmem:s28], [sflag:$0x1], $0x7B00, $0x38;
	[tilespmem:$0x1AF00] =	vst v63  }
0x55: {  	s30 =	sadd.s32 $0x0, s24;
	s12 =	sadd.s32 $0x0, s29;
	s13 =	spop (v2sf)  }
0x56: {  	[hbm4b:s30+s3] =	stream.linear.scatter [tilespmem:s31], [sflag:$0x1], $0x7B00, $0x38;
	[tilespmem:$0x1AF00] =	vst v63  }
.LBB2_2:
0x57: {  	[hbm4b:s12+s3] =	stream.linear.scatter [tilespmem:s13], [sflag:$0x1], $0x7B00, $0x38;
	[tilespmem:$0x1AF00] =	vst v63  }
0x58: {  	v0 =	vld [tilespmem:s11+$0x0];
	_ =	sdelay $0x4  }
0x59: {  	v0 =	vmul.u32 $0x520, v0;
	_ =	sdelay $0x1  }
0x5a: {  	v0 =	vshra.s32 v0, $0x2  }
0x5b: {  	(v2sf) =	vpush v0, $0x0;
	_ =	sdelay $0x1  }
0x5c: {  	(v2sf) =	vpush v0, $0x1;
	_ =	sdelay $0x1  }
0x5d: {  	(v2sf) =	vpush v0, $0x2;
	_ =	sdelay $0x1  }
0x5e: {  	(v2sf) =	vpush v0, $0x3;
	_ =	sdelay $0x1  }
0x5f: {  	(v2sf) =	vpush v0, $0x4;
	_ =	sdelay $0x1  }
0x60: {  	(v2sf) =	vpush v0, $0x5;
	_ =	sdelay $0x1  }
0x61: {  	(v2sf) =	vpush v0, $0x6  }
0x62: {  	p0 =	sne.s32 s10, $0x6BA00;
	s14 =	rddreg [dreg:$0x3]  }
0x63: {  	s12 =	smov.u32 s10;
	s10 =	sadd.s32 $0xF600, s10;
	s13 =	rddreg [dreg:$0x4];
	(v2sf) =	vpush v0, $0x7  }
0x64: {  	s15 =	rddreg [dreg:$0x12];
	s14 =	sadd.s32 s12, s14;
	s17 =	spop (v2sf)  }
0x65: {  	(v2sf) =	vpush v0, $0x8;
	[hbm4b:s14+s3] =	stream.linear.scatter [tilespmem:s17], [sflag:$0x1], $0x7B00, $0x38;
	[tilespmem:$0x1AF00] =	vst v63  }
0x66: {  	s16 =	rddreg [dreg:$0x11];
	s17 =	sadd.s32 s12, s15;
	s19 =	spop (v2sf)  }
0x67: {  	(v2sf) =	vpush v0, $0x9;
	[hbm4b:s17+s3] =	stream.linear.scatter [tilespmem:s19], [sflag:$0x1], $0x7B00, $0x38;
	[tilespmem:$0x1AF00] =	vst v63  }
0x68: {  	s18 =	rddreg [dreg:$0x10];
	s20 =	sadd.s32 s12, s16;
	s22 =	spop (v2sf)  }
0x69: {  	(v2sf) =	vpush v0, $0xA;
	[hbm4b:s20+s3] =	stream.linear.scatter [tilespmem:s22], [sflag:$0x1], $0x7B00, $0x38;
	[tilespmem:$0x1AF00] =	vst v63  }
0x6a: {  	s21 =	rddreg [dreg:$0xf];
	s23 =	sadd.s32 s12, s18;
	s25 =	spop (v2sf)  }
0x6b: {  	(v2sf) =	vpush v0, $0xB;
	[hbm4b:s23+s3] =	stream.linear.scatter [tilespmem:s25], [sflag:$0x1], $0x7B00, $0x38;
	[tilespmem:$0x1AF00] =	vst v63  }
0x6c: {  	s24 =	rddreg [dreg:$0xe];
	s26 =	sadd.s32 s12, s21;
	s29 =	spop (v2sf)  }
0x6d: {  	(v2sf) =	vpush v0, $0xC;
	[hbm4b:s26+s3] =	stream.linear.scatter [tilespmem:s29], [sflag:$0x1], $0x7B00, $0x38;
	[tilespmem:$0x1AF00] =	vst v63  }
0x6e: {  	s28 =	rddreg [dreg:$0xd];
	s30 =	sadd.s32 s12, s24;
	s18 =	spop (v2sf)  }
0x6f: {  	(v2sf) =	vpush v0, $0xD;
	[hbm4b:s30+s3] =	stream.linear.scatter [tilespmem:s18], [sflag:$0x1], $0x7B00, $0x38;
	[tilespmem:$0x1AF00] =	vst v63  }
0x70: {  	s31 =	rddreg [dreg:$0xc];
	s19 =	sadd.s32 s12, s28;
	s21 =	spop (v2sf);
	(v2sf) =	vpush v0, $0xE  }
0x71: {  	[hbm4b:s19+s3] =	stream.linear.scatter [tilespmem:s21], [sflag:$0x1], $0x7B00, $0x38;
	[tilespmem:$0x1AF00] =	vst v63  }
0x72: {  	s20 =	rddreg [dreg:$0xb];
	s22 =	sadd.s32 s12, s31;
	s24 =	spop (v2sf);
	(v2sf) =	vpush v0, $0xF  }
0x73: {  	[hbm4b:s22+s3] =	stream.linear.scatter [tilespmem:s24], [sflag:$0x1], $0x7B00, $0x38;
	[tilespmem:$0x1AF00] =	vst v63  }
0x74: {  	s23 =	rddreg [dreg:$0xa];
	s25 =	sadd.s32 s12, s20;
	s28 =	spop (v2sf)  }
0x75: {  	[hbm4b:s25+s3] =	stream.linear.scatter [tilespmem:s28], [sflag:$0x1], $0x7B00, $0x38;
	[tilespmem:$0x1AF00] =	vst v63  }
0x76: {  	s26 =	rddreg [dreg:$0x9];
	s29 =	sadd.s32 s12, s23;
	s31 =	spop (v2sf)  }
0x77: {  	[hbm4b:s29+s3] =	stream.linear.scatter [tilespmem:s31], [sflag:$0x1], $0x7B00, $0x38;
	[tilespmem:$0x1AF00] =	vst v63  }
0x78: {  	s30 =	rddreg [dreg:$0x8];
	s18 =	sadd.s32 s12, s26;
	s20 =	spop (v2sf)  }
0x79: {  	[hbm4b:s18+s3] =	stream.linear.scatter [tilespmem:s20], [sflag:$0x1], $0x7B00, $0x38;
	[tilespmem:$0x1AF00] =	vst v63  }
0x7a: {  	s19 =	rddreg [dreg:$0x7];
	s21 =	sadd.s32 s12, s30;
	s23 =	spop (v2sf)  }
0x7b: {  	[hbm4b:s21+s3] =	stream.linear.scatter [tilespmem:s23], [sflag:$0x1], $0x7B00, $0x38;
	[tilespmem:$0x1AF00] =	vst v63  }
0x7c: {  	s22 =	rddreg [dreg:$0x6];
	s24 =	sadd.s32 s12, s19;
	s26 =	spop (v2sf)  }
0x7d: {  	[hbm4b:s24+s3] =	stream.linear.scatter [tilespmem:s26], [sflag:$0x1], $0x7B00, $0x38;
	[tilespmem:$0x1AF00] =	vst v63  }
.Ltmp0:
0x7e: {  	s11 =	sadd.s32 $0x10, s11;
	s29 =	spop (v2sf);
	(pc) =	sbr.rel @p0 .LBB2_2-.Ltmp0, $4  }
0x7f: {  	s25 =	rddreg [dreg:$0x5];
	s28 =	sadd.s32 s12, s22;
	s31 =	spop (v2sf)  }
0x80: {  	[hbm4b:s28+s3] =	stream.linear.scatter [tilespmem:s29], [sflag:$0x1], $0x7B00, $0x38;
	[tilespmem:$0x1AF00] =	vst v63  }
0x81: {  	s30 =	sadd.s32 s12, s25;
	s12 =	sadd.s32 s12, s13;
	s13 =	spop (v2sf)  }
0x82: {  	[hbm4b:s30+s3] =	stream.linear.scatter [tilespmem:s31], [sflag:$0x1], $0x7B00, $0x38;
	[tilespmem:$0x1AF00] =	vst v63  }
0x83: {  	s9 =	sadd.s32 $0x1, s9  }
0x84: {  	p0 =	sne.s32 s9, s5  }
.Ltmp1:
0x85: {  	_ = 	snop;
	(pc) =	sbr.rel @p0 .LBB2_1-.Ltmp1, $4  }
0x86: {  	[hbm4b:s12+s3] =	stream.linear.scatter [tilespmem:s13], [sflag:$0x1], $0x7B00, $0x38;
	[tilespmem:$0x1AF00] =	vst v63  }
0x87: {  	_ =	swait.ge [sflag:s8], $0x7B000  }
0x88: {  	[sflag:s8] =	ssyncset.done $0x0  }
0x89: {  	[sflag:s8] =	ssyncadd.s32 $0xFFF85000  }
0x8a: {  	_ =	sfence.sel $0x180000  }
0x8b: {  	[bflag:$0x0] =	sbarrier.arrive $0xFFFF  }
0x8c: {  	p0 =	sne.s32 s1, $0x0;
	_ =	strace $0x90000047  }
0x8d: {  	s0 =	sadd.s32 @!p0 $0x100000, s0;
	[bflag:$0x2] =	sbarrier.arrive $0xFFFF  }
0x8e: {  	[sflag:s0] =	ssyncadd.tile.s32 @!p0 $0x1;
	_ =	shalt  }
.Lfunc_end2:
_tile_overlayer_lowered:
.L_overlay_start_2:
0x8f: {  	(tag) =	ssettag $0x2  }
0x90: {  	s0 =	rddreg [dreg:$0x0];
	s2 =	stileid.u32  }
0x91: {  	s1 =	rddreg [dreg:$0x1];
	p0 =	sne.s32 s2, $0x0  }
0x92: {  	s3 =	rddreg [dreg:$0x2];
	[bflag:$0x3] =	sbarrier.arrive $0xFFFF;
	s2 =	simm.s32 @!p0 $0x1C02  }
0x93: {  	[timem:s3], [sflag:s2] =	dma.local @!p0 [hbm:s0], s1  }
0x94: {  	s0 =	simm.s32 @!p0 $0x2  }
0x95: {  	_ =	swait.ge @!p0 [sflag:s0], s1  }
0x96: {  	s1 =	ssub.s32 @!p0 $0x0, s1;
	[sflag:s0] =	ssyncset.done @!p0 $0x0  }
0x97: {  	[sflag:s0] =	ssyncadd.s32 @!p0 s1  }
0x98: {  	[bflag:$0x3] =	sbarrier.arrive $0xFFFF  }
0x99: {  	_ =	shalt  }

// kernel: sparse-core-data-format-call.cloned.1.call-start
scs
called_computation_lowered:
.L_overlay_start_0:
0x0: {  	s2 =	sld [smem:$0x3FD9]  }
0x1: {  	s3 =	sld [smem:$0x3FFE];
	_ =	sdelay $0x1  }
0x2: {  	s1 =	srdreg.scid  }
0x3: {  	s0 =	sand.u32 $0x1, s1  }
0x4: {  	s18 =	sshll.u32 s0, $0xA;
	s2 =	sadd.s32 s3, s2  }
0x5: {  	s2 =	sadd.s32 s2, s18  }
0x6: {  	[smem:$0x3FC5] =	sst s2  }
0x7: {  	_ = 	snop  }
0x8: {  	s2 =	sld [smem:$0x3FD0];
	(tm) =	ssettm $0x1  }
0x9: {  	s19 =	sld [smem:$0x3FFB];
	_ =	sdelay $0x3  }
0xa: {  	_ =	strace s19  }
0xb: {  	s3 =	sld [smem:$0x3FFC];
	_ =	sdelay $0x3  }
0xc: {  	_ =	strace s3  }
0xd: {  	s3 =	sld [smem:$0x3FFD];
	_ =	sdelay $0x3  }
0xe: {  	_ =	strace s3  }
0xf: {  	_ =	strace $0x8FFFFFFF  }
0x10: {  	s20 =	sld [smem:$0x3FDB];
	_ =	sdelay $0x1  }
0x11: {  	s4 =	simm.s32 $_scs_section_size  }
0x12: {  	s5 =	simm.s32 $_size__tile_overlayer_lowered;
	s6 =	simm.s32 $_tile_overlayer_lowered  }
0x13: {  	s23 =	simm.s32 $0x1BFF;
	s22 =	sshll.u32 s6, $0x1;
	s3 =	sadd.s32 s4, s20  }
0x14: {  	s7 =	simm.s32 $0x0;
	s21 =	sshll.u32 s5, $0x1;
	s5 =	sadd.s32 s22, s3  }
0x15: {  	[timem:s7], [sflag:s23] =	dma.local [hbm:s5], s21  }
0x16: {  	_ =	swait.ge [sflag:s23], s21  }
0x17: {  	s4 =	ssub.s32 $0x0, s21;
	[sflag:s23] =	ssyncset.done $0x0  }
0x18: {  	[sflag:s23] =	ssyncadd.s32 s4;
	_ =	sdelay $0x1  }
0x19: {  	s24 =	simm.s32 $0x1B8B  }
0x1a: {  	_ =	swait.ge [sflag:s24], $0x1  }
0x1b: {  	[sflag:s24] =	ssyncset.done $0x0  }
0x1c: {  	s26 =	simm.s32 $0x1B8E;
	s25 =	sld [smem:$0x3FFE];
	[sflag:s24] =	ssyncadd.s32 $0xFFFFFFFF  }
0x1d: {  	s27 =	simm.s32 $execute0_lowered;
	[smem:$0x3FD2] =	sst s26  }
0x1e: {  	s5 =	sshll.u32 s27, $0x1;
	_ =	strace $0x80000049;
	[dreg:$0x1] =	wrdreg $0xFFFFFFFF  }
0x1f: {  	s28 =	simm.s32 $_size_execute0_lowered;
	s3 =	sadd.s32 s3, s5;
	[dreg:$0x0] =	wrdreg $0x0  }
0x20: {  	s5 =	sshll.u32 s28, $0x1;
	[dreg:$0x2] =	wrdreg s3  }
0x21: {  	[dreg:$0x3] =	wrdreg s5  }
0x22: {  	[dreg:$0x4] =	wrdreg $0xC0  }
0x23: {  	_ =	task [dreg:s7], $0x5FFFF  }
0x24: {  	[dreg:$0x1] =	wrdreg $0xFFFFFFFF  }
0x25: {  	[dreg:$0x0] =	wrdreg $0x60  }
0x26: {  	[dreg:$0x2] =	wrdreg s25  }
0x27: {  	[dreg:$0x3] =	wrdreg s2  }
0x28: {  	[dreg:$0x4] =	wrdreg $0x9  }
0x29: {  	_ =	task.clear_ibuf [dreg:s7], $0x5FFFF;
	_ =	strace $0x90000049  }
0x2a: {  	s29 =	simm.s32 $0x9;
	_ =	strace $0x8000004B  }
0x2b: {  	_ =	swait.ge [sflag:s29], $0x1  }
0x2c: {  	[sflag:s29] =	ssyncadd.s32 $0xFFFFFFFF  }
0x2d: {  	_ =	strace $0x9000004B  }
0x2e: {  	_ =	sfence  }
0x2f: {  	s30 =	sld [smem:$0x0];
	_ =	sdelay $0x2  }
0x30: {  	s31 =	sshll.u32 s1, $0xD;
	s1 =	sshrl.u32 s1, $0x2  }
0x31: {  	s3 =	sand.u32 $0x4000, s31;
	s1 =	sadd.s32 s1, s30  }
0x32: {  	s0 =	sor.u32 s3, s0;
	s1 =	sshll.u32 s1, $0x11  }
0x33: {  	s0 =	sor.u32 s1, s0  }
0x34: {  	s0 =	sadd.s32 $0x8F2B, s0  }
0x35: {  	[sflag:s0] =	ssyncadd.remote.s32 $0x1  }
0x36: {  	_ =	sfence.sel $0xFFFF  }
0x37: {  	[dreg:$0x0] =	wrdreg $0xFFFFFFFF;
	(pc) =	sbr.abs _section_cstart, $3  }
0x38: {  	[dreg:$0x1] =	wrdreg $0xFFFFFFFF  }
0x39: {  	_ =	task.clear_ibuf [dreg:s7], $0x2FFFF;
	_ =	strace $0x9FFFFFFF  }
0x3a: {  	(tm) =	ssettm $0x7FFFFFFF  }
0x3b: {  	_ =	shalt  }
tec
execute0_lowered:
.L_overlay_start_1:
0x0: {  	(tag) =	ssettag $0x1  }
0x1: {  	s0 =	srdreg.scid;
	s6 =	rddreg [dreg:$0x0]  }
0x2: {  	s3 =	rddreg [dreg:$0x1];
	s1 =	sshll.u32 s0, $0x4  }
0x3: {  	s5 =	simm.s32 $0x1;
	s0 =	stileid.u32;
	s1 =	sand.u32 $0x10, s1  }
0x4: {  	s31 =	simm.s32 $0x2;
	s18 =	simm.s32 $0x0;
	s1 =	sor.u32 s0, s1  }
0x5: {  	s8 =	simm.s32 $0x60000;
	s17 =	simm.s32 $0x0;
	s2 =	sshll.u32 s1, $0x7  }
0x6: {  	s16 =	simm.s32 $0x0;
	s9 =	simm.s32 $0x0;
	s4 =	ssub.s32 $0x1000, s2  }
0x7: {  	s10 =	simm.s32 $0x0;
	s11 =	simm.s32 $0x0;
	s30 =	sand.u32 $0xF80, s4  }
0x8: {  	s12 =	simm.s32 $0x0;
	s13 =	simm.s32 $0x0;
	p0 =	sne.s32 s30, $0x0  }
.Ltmp0:
0x9: {  	s7 =	sshrl.u32 s4, $0xC;
	s5 =	simm.s32 @!p0 $0x0;
	(pc) =	sbr.rel .LBB1_1-.Ltmp0, $4  }
0xa: {  	s15 =	simm.s32 $0x0;
	s1 =	rddreg [dreg:$0x2];
	s5 =	sadd.s32 s5, s7  }
0xb: {  	_ =	strace $0x8000004A;
	s4 =	simm.s32 $0x1;
	s5 =	smul.u32 $0x120, s5  }
0xc: {  	s6 =	sadd.s32 $0xF60A00, s6;
	s14 =	smov.u32 s2;
	[sflag:s4] =	ssyncpa.u1 $0x0  }
0xd: {  	[sflag:s31] =	ssyncpa.u1 $0x0;
	p0 =	por $0x0, $0x0;
	s7 =	sor.u32 $0x1, s5  }
.LBB1_4:
0xe: {  	s23 =	sshra.s32 s23, $0x2;
	s24 =	sshll.u32 s10, $0xC  }
0xf: {  	p1 =	sgt.s32 s10, $0x5F;
	s26 =	smov.u32 s10;
	s27 =	sshra.s32 s10, $0x1F  }
0x10: {  	s28 =	smov.u32 s9;
	s29 =	sshra.s32 s11, $0x1F;
	s22 =	sadd.s32 s23, s22  }
0x11: {  	s30 =	sand.u32 $0xFFFF8000, s24;
	s24 =	sshll.u32 s11, $0x3;
	s26 =	simm.s32 @!p1 $0x5F  }
0x12: {  	p1 =	sgt.s32 s9, $0xC1;
	s27 =	sand.u32 s27, s10;
	s31 =	sand.u32 s29, s11  }
0x13: {  	s29 =	sshll.u32 s10, $0x7;
	s25 =	sand.u32 $0xFFFFFC00, s24;
	s28 =	simm.s32 @!p1 $0xC1  }
0x14: {  	p1 =	sgt.s32 s11, $0xF80;
	s23 =	sadd.s32 s25, s30;
	s25 =	ssub.s32 s26, s27  }
0x15: {  	[tilespmem:s21+$0x2040 ss:$0x81] =	vst.msk $0xffff, v4;
	s27 =	smov.u32 s11;
	s30 =	sshra.s32 s9, $0x1F;
	s26 =	sadd.s32 $0xFFFFFFA1, s25  }
0x16: {  	v5 =	vld [tilespmem:s20+$0xFFFFFFD0];
	[tilespmem:s21+$0x2850 ss:$0x81] =	vst.msk $0xffff, v3;
	s27 =	simm.s32 @!p1 $0xF80;
	s23 =	sshrl.u32 s23, $0xC;
	s25 =	ssub.s32 $0x60, s25  }
0x17: {  	v58 =	vld [tilespmem:s20+$0xFFFFFFE0];
	[tilespmem:s21+$0x3060 ss:$0x81] =	vst.msk $0xffff, v2;
	p1 =	sgt.s32 s26, $0x0;
	s26 =	ssub.s32 s27, s31;
	s27 =	sand.u32 s30, s9  }
0x18: {  	v59 =	vld [tilespmem:s20+$0xFFFFFFF0];
	[tilespmem:s21+$0x0 ss:$0x81] =	vst.msk $0xffff, v1;
	s21 =	smulhi.u32 $0x2AAAAAB, s23;
	s30 =	sand.u32 $0x78, s11;
	s27 =	ssub.s32 s28, s27  }
0x19: {  	v60 =	vld [tilespmem:s20+$0x0];
	s25 =	simm.s32 @p1 $0x0;
	s31 =	sadd.s32 $0xFFFFF080, s26;
	s26 =	ssub.s32 $0x1000, s26  }
0x1a: {  	v61 =	vld [tilespmem:s20+$0x10];
	[tilespmem:s22+$0x3870 ss:$0x81] =	vst.msk $0xffff, v0;
	p1 =	sgt.s32 s31, $0x7F;
	s28 =	sadd.s32 $0xFFFFFF3F, s27;
	s31 =	sand.u32 $0x380, s29  }
0x1b: {  	v62 =	vld [tilespmem:s20+$0x20];
	[tilespmem:s22+$0x810 ss:$0x81] =	vst.msk $0xffff, v5;
	s29 =	sand.u32 $0xC00, s24;
	s21 =	smul.u32 $0x60, s21;
	s24 =	ssub.s32 $0x141, s27  }
0x1c: {  	v63 =	vld [tilespmem:s20+$0xFFFFFFC0];
	[tilespmem:s22+$0x1020 ss:$0x81] =	vst.msk $0xffff, v58;
	s26 =	simm.s32 @p1 $0x0;
	s20 =	sor.u32 s30, s29;
	s30 =	smul.u32 $0xC000, s9  }
0x1d: {  	[tilespmem:s22+$0x1830 ss:$0x81] =	vst.msk $0xffff, v59;
	p1 =	sgt.s32 s28, $0x7F;
	s28 =	sand.u32 $0x7, s11;
	s25 =	smul.u32 s26, s25  }
0x1e: {  	[tilespmem:s22+$0x2040 ss:$0x81] =	vst.msk $0xffff, v60;
	s24 =	simm.s32 @p1 $0x0;
	s20 =	sor.u32 s31, s20;
	s21 =	ssub.s32 s23, s21  }
0x1f: {  	[tilespmem:s22+$0x2850 ss:$0x81] =	vst.msk $0xffff, v61;
	s20 =	sshrl.u32 s20, $0x3;
	s27 =	sadd.s32 s3, s30;
	s31 =	smul.u32 s24, s25  }
0x20: {  	[tilespmem:s22+$0x3060 ss:$0x81] =	vst.msk $0xffff, v62;
	s29 =	sshll.u32 s28, $0x12;
	s21 =	sshll.u32 s21, $0x9;
	s20 =	sadd.s32 s20, s27  }
0x21: {  	[tilespmem:s22+$0x0 ss:$0x81] =	vst.msk $0xffff, v63;
	s20 =	sadd.s32 s21, s20;
	s30 =	sand.u32 $0x3FFFFFFF, s31;
	s31 =	sor.u32 $0x80, s29  }
0x22: {  	[hbm4b:s20+s31] =	stream.strided.scatter [tilespmem:s19], [sflag:$0x2], s30, s8, s31, $0x20;
	[tilespmem:$0x10100] =	vst v63  }
.LBB1_5:
0x23: {  	p1 =	slt.u32 s15, $0x2  }
0x24: {  	p2 =	sgt.s32 @!p1 s18, $0xC1  }
0x25: {  	s19 =	smov.u32 s18;
	s20 =	sshra.s32 @!p1 s18, $0x1F;
	p2 =	por !p2, p1  }
0x26: {  	s18 =	sand.u32 @!p1 s20, s18;
	s19 =	simm.s32 @p2 $0xC1  }
0x27: {  	s20 =	sshra.s32 @!p1 s17, $0x1F;
	p2 =	sgt.s32 @!p1 s17, $0x5F;
	s18 =	ssub.s32 @!p1 s19, s18  }
0x28: {  	p2 =	por !p2, p1;
	s19 =	smov.u32 s17;
	s17 =	sand.u32 @!p1 s20, s17  }
0x29: {  	s20 =	sshra.s32 @!p1 s16, $0x1F;
	s19 =	simm.s32 @p2 $0x5F;
	p2 =	sgt.s32 @!p1 s16, $0xF80  }
0x2a: {  	s17 =	ssub.s32 @!p1 s19, s17;
	p2 =	por !p2, p1;
	s19 =	smov.u32 s16  }
0x2b: {  	s16 =	sand.u32 @!p1 s20, s16;
	s20 =	sadd.s32 @!p1 $0xFFFFFFA1, s17;
	s19 =	simm.s32 @p2 $0xF80  }
0x2c: {  	p2 =	sgt.s32 @!p1 s20, $0x0;
	s16 =	ssub.s32 @!p1 s19, s16  }
0x2d: {  	s17 =	ssub.s32 @!p1 $0x60, s17;
	p2 =	por !p2, p1;
	s19 =	sadd.s32 @!p1 $0xFFFFF080, s16  }
0x2e: {  	s17 =	simm.s32 @!p2 $0x0;
	p2 =	sgt.s32 @!p1 s19, $0x7F  }
0x2f: {  	s21 =	smov.u32 s14;
	s16 =	ssub.s32 @!p1 $0x1000, s16;
	p2 =	por !p2, p1  }
0x30: {  	s20 =	sadd.s32 @!p1 $0xFFFFFF3F, s18;
	s19 =	sadd.s32 $0x80, s12;
	s16 =	simm.s32 @!p2 $0x0  }
0x31: {  	p2 =	sgt.s32 s19, $0x140;
	s16 =	smul.u32 @!p1 s16, s17;
	s17 =	simm.s32 $0x1  }
0x32: {  	p0 =	por !p0, !p0;
	p3 =	sgt.s32 @!p1 s20, $0x7F;
	s17 =	simm.s32 @!p2 $0x0  }
0x33: {  	s18 =	ssub.s32 @!p1 $0x141, s18;
	p3 =	por !p3, p1;
	s20 =	sadd.s32 s17, s13  }
0x34: {  	s18 =	simm.s32 @!p3 $0x0;
	s17 =	sadd.s32 $0x1000, s14;
	p3 =	sgt.s32 s20, $0x5F  }
0x35: {  	s22 =	simm.s32 @!p1 $0x2;
	s19 =	simm.s32 @p2 $0x0;
	s21 =	smov.u32 @p3 s17  }
0x36: {  	s16 =	smul.u32 @!p1 s18, s16;
	s18 =	smov.u32 s9;
	p2 =	sgt.s32 s21, $0xFFF  }
0x37: {  	s9 =	smov.u32 s12;
	s21 =	smov.u32 @p2 s2;
	p2 =	sne.s32 s15, s7  }
.Ltmp1:
0x38: {  	s12 =	smov.u32 s19;
	s16 =	sand.u32 @!p1 $0x3FFFFFFF, s16;
	(pc) =	sbr.rel @!p2 .LBB1_6-.Ltmp1, $4  }
0x39: {  	s20 =	simm.s32 @p3 $0x0;
	s17 =	smov.u32 s10;
	s10 =	smov.u32 s13  }
0x3a: {  	_ =	swait.ge @!p1 [sflag:s22], s16;
	s23 =	ssub.s32 @!p1 $0x0, s16;
	s16 =	smov.u32 s11  }
0x3b: {  	s11 =	smov.u32 s14;
	s13 =	smov.u32 s20;
	[sflag:s22] =	ssyncset.done @!p1 $0x0  }
0x3c: {  	s15 =	sadd.s32 $0x1, s15;
	[sflag:s22] =	ssyncadd.s32 @!p1 s23;
	s14 =	smov.u32 s21  }
.LBB1_1:
0x3d: {  	p1 =	sge.u32 s15, s5  }
0x3e: {  	s19 =	sshrl.u32 @!p1 s13, $0x3  }
0x3f: {  	s20 =	sshll.u32 @!p1 s12, $0x3;
	s19 =	smul.u32 @!p1 $0xC00, s19  }
0x40: {  	s21 =	sshll.u32 @!p1 s13, $0x7;
	s20 =	sand.u32 @!p1 $0xFFFFFC00, s20  }
0x41: {  	s19 =	sadd.s32 @!p1 s19, s20;
	s20 =	sand.u32 @!p1 $0x380, s21  }
0x42: {  	s19 =	sor.u32 @!p1 s20, s19  }
0x43: {  	s20 =	sand.u32 @!p1 $0x7F, s12;
	s21 =	smulhi.u32 @!p1 $0xAAAAAAAB, s19  }
0x44: {  	s19 =	sor.u32 @!p1 s20, s19  }
0x45: {  	s20 =	smulhi.u32 @!p1 $0xAAAAAAAB, s19;
	s21 =	sshrl.u32 @!p1 s21, $0x8  }
0x46: {  	s22 =	smulhi.u32 @!p1 $0x2AAAAAB, s21;
	_ =	sdelay $0x1  }
0x47: {  	s20 =	sshrl.u32 @!p1 s20, $0x8;
	s22 =	smul.u32 @!p1 $0x60, s22  }
0x48: {  	s31 =	sadd.s32 $0xFFFFFFFF, s15;
	s20 =	smul.u32 @!p1 $0x180, s20  }
0x49: {  	s23 =	sxor.u32 @!p1 $0xFFFFFFFF, s15;
	s21 =	ssub.s32 @!p1 s21, s22;
	s22 =	smul.u32 @!p1 $0x1200, s14  }
0x4a: {  	s23 =	sshll.u32 @!p1 s23, $0xE;
	s19 =	ssub.s32 @!p1 s19, s20;
	s20 =	smul.u32 @!p1 $0x30, s21  }
0x4b: {  	s21 =	sand.u32 @!p1 $0x4000, s23;
	s23 =	sand.u32 @!p1 $0x7, s19;
	s22 =	sadd.s32 @!p1 s6, s22  }
0x4c: {  	s19 =	sshrl.u32 @!p1 s19, $0x3;
	s20 =	sadd.s32 @!p1 s20, s22;
	s22 =	sshll.u32 @!p1 s23, $0x12  }
0x4d: {  	s19 =	sadd.s32 @!p1 s19, s20;
	s20 =	sor.u32 @!p1 $0x80, s22;
	s22 =	simm.s32 @!p1 $0x9000  }
0x4e: {  	[tilespmem:s21], [sflag:$0x1] =	stream.strided.gather @!p1 [hbm4b:s19+s20], $0x4000, s22, s20, $0x38;
	[tilespmem:$0x10100] =	vst v63  }
0x4f: {  	p1 =	sge.u32 s31, s5  }
.Ltmp2:
0x50: {  	_ = 	snop;
	(pc) =	sbr.rel @p1 .LBB1_5-.Ltmp2, $1  }
0x51: {  	_ =	sdelay $0x3  }
0x52: {  	s19 =	simm.s32 $0x1  }
0x53: {  	_ =	swait.ge [sflag:s4], $0x4000;
	s19 =	simm.s32 @!p0 $0x0  }
0x54: {  	[sflag:s4] =	ssyncset.done $0x0;
	s20 =	sshll.u32 s19, $0xE  }
0x55: {  	[sflag:s4] =	ssyncadd.s32 $0xFFFFC000;
	s20 =	sor.u32 $0x40, s20  }
0x56: {  	s19 =	smul.u32 $0x10200, s19;
	v0 =	vld [tilespmem:s20+$0x30]  }
0x57: {  	v1 =	vld [tilespmem:s20+$0xFFFFFFD0]  }
0x58: {  	s19 =	sshrl.u32 s19, $0x2;
	v5 =	vld [tilespmem:s20+$0xFFFFFFE0]  }
0x59: {  	v6 =	vld [tilespmem:s20+$0xFFFFFFF0];
	s22 =	sor.u32 $0x8000, s19  }
0x5a: {  	s31 =	sand.u32 $0x1, s15;
	v4 =	vld [tilespmem:s20+$0x0];
	s21 =	sadd.s32 $0x0, s22  }
0x5b: {  	v3 =	vld [tilespmem:s20+$0x10];
	s19 =	smul.u32 $0x10200, s31;
	[tilespmem:s21+$0x3870 ss:$0x81] =	vst.msk $0xffff, v0  }
0x5c: {  	v2 =	vld [tilespmem:s20+$0x20];
	[tilespmem:s21+$0x810 ss:$0x81] =	vst.msk $0xffff, v1  }
0x5d: {  	s19 =	sshrl.u32 s19, $0x2;
	v1 =	vld [tilespmem:s20+$0xFFFFFFC0];
	[tilespmem:s21+$0x1020 ss:$0x81] =	vst.msk $0xffff, v5;
	s20 =	sadd.s32 $0x80, s20  }
0x5e: {  	s23 =	simm.s32 $0x4;
	s24 =	simm.s32 $0x8;
	s19 =	sor.u32 $0x8000, s19;
	[tilespmem:s21+$0x1830 ss:$0x81] =	vst.msk $0xffff, v6;
	v0 =	vld [tilespmem:s20+$0x30]  }
.LBB1_3:
0x5f: {  	p1 =	sne.s32 s24, $0x1FC;
	v5 =	vld [tilespmem:s20+$0xFFFFFFD0];
	[tilespmem:s21+$0x2040 ss:$0x81] =	vst.msk $0xffff, v4  }
0x60: {  	v6 =	vld [tilespmem:s20+$0xFFFFFFE0];
	[tilespmem:s21+$0x2850 ss:$0x81] =	vst.msk $0xffff, v3  }
0x61: {  	s25 =	sshra.s32 s23, $0x2;
	s23 =	smov.u32 s24;
	v7 =	vld [tilespmem:s20+$0xFFFFFFF0];
	[tilespmem:s21+$0x3060 ss:$0x81] =	vst.msk $0xffff, v2  }
.Ltmp3:
0x62: {  	v4 =	vld [tilespmem:s20+$0x0];
	[tilespmem:s21+$0x0 ss:$0x81] =	vst.msk $0xffff, v1;
	s21 =	sadd.s32 s25, s22;
	(pc) =	sbr.rel @p1 .LBB1_3-.Ltmp3, $4  }
0x63: {  	v3 =	vld [tilespmem:s20+$0x10];
	[tilespmem:s21+$0x3870 ss:$0x81] =	vst.msk $0xffff, v0  }
0x64: {  	[tilespmem:s21+$0x810 ss:$0x81] =	vst.msk $0xffff, v5;
	v2 =	vld [tilespmem:s20+$0x20]  }
0x65: {  	v1 =	vld [tilespmem:s20+$0xFFFFFFC0];
	[tilespmem:s21+$0x1020 ss:$0x81] =	vst.msk $0xffff, v6;
	s20 =	sadd.s32 $0x80, s20  }
0x66: {  	s24 =	sadd.s32 $0x4, s24;
	v0 =	vld [tilespmem:s20+$0x30];
	[tilespmem:s21+$0x1830 ss:$0x81] =	vst.msk $0xffff, v7  }
.Ltmp4:
0x67: {  	_ = 	snop;
	(pc) =	sbr.rel .LBB1_4-.Ltmp4, $1  }
0x68: {  	_ =	sdelay $0x3  }
.LBB1_6:
0x69: {  	_ =	sfence.sel $0x180000  }
0x6a: {  	s2 =	simm.s32 $0x1;
	[bflag:$0x0] =	sbarrier.arrive $0xFFFF  }
0x6b: {  	s31 =	simm.s32 $0x2;
	[sflag:s2] =	ssyncpa.u1 $0x1  }
0x6c: {  	[sflag:s31] =	ssyncpa.u1 $0x1  }
0x6d: {  	p0 =	sne.s32 s0, $0x0;
	_ =	strace $0x9000004A  }
0x6e: {  	s0 =	sadd.s32 @!p0 $0x100000, s1;
	[bflag:$0x2] =	sbarrier.arrive $0xFFFF  }
0x6f: {  	[sflag:s0] =	ssyncadd.tile.s32 @!p0 $0x1;
	_ =	shalt  }
.Lfunc_end1:
_tile_overlayer_lowered:
.L_overlay_start_2:
0x70: {  	(tag) =	ssettag $0x2  }
0x71: {  	s0 =	rddreg [dreg:$0x0];
	s2 =	stileid.u32  }
0x72: {  	s1 =	rddreg [dreg:$0x1];
	p0 =	sne.s32 s2, $0x0  }
0x73: {  	s3 =	rddreg [dreg:$0x2];
	[bflag:$0x3] =	sbarrier.arrive $0xFFFF;
	s2 =	simm.s32 @!p0 $0x1C01  }
0x74: {  	[timem:s3], [sflag:s2] =	dma.local @!p0 [hbm:s0], s1  }
0x75: {  	s0 =	simm.s32 @!p0 $0x1  }
0x76: {  	_ =	swait.ge @!p0 [sflag:s0], s1  }
0x77: {  	s1 =	ssub.s32 @!p0 $0x0, s1;
	[sflag:s0] =	ssyncset.done @!p0 $0x0  }
0x78: {  	[sflag:s0] =	ssyncadd.s32 @!p0 s1  }
0x79: {  	[bflag:$0x3] =	sbarrier.arrive $0xFFFF  }
0x7a: {  	_ =	shalt  }

</sc_bundles>
